<compile_context>
chip_gen: v7x
topology: tpu7x:2x2x1
jax: 0.10.2.dev20260603
libtpu: 0.0.44.dev20260713+nightly
codegen_flags: <defaults>
</compile_context>

<pallas_src>
import functools

import jax
import jax.numpy as jnp
from jax import lax
from jax.experimental import pallas as pl
from jax.experimental.pallas import tpu as pltpu
from jax.experimental.pallas import tpu_sc as plsc

_NC = 2
_NS = 16
_NW = _NC * _NS
_CHUNK = 128


def _gather_body(nchunks, nbuf, uid_hbm, iid_hbm, ut_hbm, it_hbm,
                 uout_hbm, iout_hbm, idx_v, rows_v, sem_i, sem_g, sem_w):
    wid = lax.axis_index("s") * _NC + lax.axis_index("c")
    total = 2 * nchunks

    ld_u = pltpu.async_copy(uid_hbm.at[wid], idx_v.at[pl.ds(0, nchunks)],
                            sem_i)
    ld_i = pltpu.async_copy(iid_hbm.at[wid],
                            idx_v.at[pl.ds(nchunks, nchunks)], sem_i)
    ld_u.wait()
    ld_i.wait()

    def src_dst(p):
        if p < nchunks:
            return ut_hbm, uout_hbm, p
        return it_hbm, iout_hbm, p - nchunks

    ahead = nbuf - 2
    g = [None] * nbuf
    wb = [None] * nbuf

    def fire(p):
        slot = p % nbuf
        if wb[slot] is not None:
            wb[slot].wait()
            wb[slot] = None
        tab, _, _ = src_dst(p)
        g[slot] = pltpu.async_copy(tab.at[idx_v.at[p]], rows_v.at[slot],
                                   sem_g)

    for p in range(min(ahead + 1, total)):
        fire(p)
    for p in range(total):
        if p + ahead + 1 < total:
            fire(p + ahead + 1)
        slot = p % nbuf
        g[slot].wait()
        _, out_hbm, pp = src_dst(p)
        wb[slot] = pltpu.async_copy(rows_v.at[slot], out_hbm.at[wid, pp],
                                    sem_w)
    for w in wb:
        if w is not None:
            w.wait()


def _sc_gather(user_ids, item_ids, user_table, item_table):
    b = user_ids.shape[0]
    d = user_table.shape[1]
    b_per_w = b // _NW
    nchunks = b_per_w // _CHUNK

    mesh = plsc.VectorSubcoreMesh(
        core_axis_name="c", subcore_axis_name="s",
        num_cores=_NC, num_subcores=_NS)

    uid3 = user_ids.astype(jnp.int32).reshape(_NW, nchunks, _CHUNK)
    iid3 = item_ids.astype(jnp.int32).reshape(_NW, nchunks, _CHUNK)

    out_sds = jax.ShapeDtypeStruct((_NW, nchunks, _CHUNK, d), jnp.float32)
    nbuf = 7
    fn = pl.kernel(
        functools.partial(_gather_body, nchunks, nbuf),
        out_type=(out_sds, out_sds),
        mesh=mesh,
        scratch_types=[
            pltpu.VMEM((2 * nchunks, _CHUNK), jnp.int32),
            pltpu.VMEM((nbuf, _CHUNK, d), jnp.float32),
            pltpu.SemaphoreType.DMA,
            pltpu.SemaphoreType.DMA,
            pltpu.SemaphoreType.DMA,
        ],
    )
    u4, i4 = fn(uid3, iid3, user_table, item_table)
    return u4.reshape(b, d), i4.reshape(b, d)


def _dense_body(u_ref, i_ref, w1t_ref, b1_ref, w2_ref, b2_ref, o_ref):
    d = u_ref.shape[1]
    ut = jnp.transpose(u_ref[...])
    it = jnp.transpose(i_ref[...])
    mlp = jnp.dot(w1t_ref[:, :d], ut, preferred_element_type=jnp.float32)
    mlp += jnp.dot(w1t_ref[:, d:], it, preferred_element_type=jnp.float32)
    mlp = jnp.maximum(mlp + b1_ref[...], 0.0)
    gmf = ut * it
    s = jnp.sum(gmf * w2_ref[:d, :], axis=0, keepdims=True)
    s += jnp.sum(mlp * w2_ref[d:, :], axis=0, keepdims=True)
    s += b2_ref[0, 0]
    o_ref[...] = 1.0 / (1.0 + jnp.exp(-s))


def _tc_dense(u_emb, i_emb, W1, b1, W2, b2, blk=2048, nrows=None):
    b, d = u_emb.shape
    if nrows is not None:
        b = nrows
    h = W1.shape[1]
    w1t = W1.T
    b1_2d = b1.reshape(h, 1)
    b2_2d = b2.reshape(1, 1)
    out = pl.pallas_call(
        _dense_body,
        grid=(b // blk,),
        in_specs=[
            pl.BlockSpec((blk, d), lambda i: (i, 0)),
            pl.BlockSpec((blk, d), lambda i: (i, 0)),
            pl.BlockSpec((h, 2 * d), lambda i: (0, 0)),
            pl.BlockSpec((h, 1), lambda i: (0, 0)),
            pl.BlockSpec((d + h, 1), lambda i: (0, 0)),
            pl.BlockSpec((1, 1), lambda i: (0, 0)),
        ],
        out_specs=pl.BlockSpec((1, blk), lambda i: (0, i)),
        out_shape=jax.ShapeDtypeStruct((1, b), jnp.float32),
    )(u_emb, i_emb, w1t, b1_2d, W2, b2_2d)
    return out.reshape(b)


@jax.jit
def kernel(user_ids, item_ids, user_table, item_table, W1, b1, W2, b2):
    u_emb, i_emb = _sc_gather(user_ids, item_ids, user_table, item_table)
    return _tc_dense(u_emb, i_emb, W1, b1, W2, b2, blk=8192)

# --- scband reference (transcript-rebuilt; emitter-appended) ---
"""Pipeline reference for scband-ne-mf-41936060678147 (READ-ONLY COPY).

The authoritative reference and input builder live on the scoring server;
editing this copy changes nothing except your own understanding.
"""

import jax, jax.numpy as jnp
import numpy as np

NUM_USERS = 1000000
NUM_ITEMS = 1000000
EMBED_DIM = 128
HIDDEN = 128
BATCH = 16384


def setup_inputs(seed: int = 0) -> dict:
    key = jax.random.key(seed)
    k1, k2, k3, k4, k5, k6 = jax.random.split(key, 6)
    user_ids = jax.random.randint(k1, (BATCH,), 0, NUM_USERS, dtype=jnp.int64) if jax.config.jax_enable_x64 else jax.random.randint(k1, (BATCH,), 0, NUM_USERS, dtype=jnp.int32)
    item_ids = jax.random.randint(k2, (BATCH,), 0, NUM_ITEMS, dtype=jnp.int32)
    user_table = jax.random.normal(k3, (NUM_USERS, EMBED_DIM), dtype=jnp.float32) * 0.01
    item_table = jax.random.normal(k4, (NUM_ITEMS, EMBED_DIM), dtype=jnp.float32) * 0.01
    # MLP: Linear(2*EMBED_DIM -> HIDDEN)
    lim1 = float(np.sqrt(6.0 / (2 * EMBED_DIM + HIDDEN)))
    W1 = jax.random.uniform(k5, (2 * EMBED_DIM, HIDDEN), dtype=jnp.float32, minval=-lim1, maxval=lim1)
    b1 = jnp.zeros((HIDDEN,), dtype=jnp.float32)
    # Output layer: Linear(HIDDEN + EMBED_DIM -> 1)
    lim2 = float(np.sqrt(6.0 / (HIDDEN + EMBED_DIM + 1)))
    W2 = jax.random.uniform(k6, (HIDDEN + EMBED_DIM, 1), dtype=jnp.float32, minval=-lim2, maxval=lim2)
    b2 = jnp.zeros((1,), dtype=jnp.float32)
    return {"user_ids": user_ids, "item_ids": item_ids, "user_table": user_table, "item_table": item_table, "W1": W1, "b1": b1, "W2": W2, "b2": b2}


def reference(user_ids, item_ids, user_table, item_table, W1, b1, W2, b2):
    user_emb = jnp.take(user_table, user_ids, axis=0)  # [B, D]
    item_emb = jnp.take(item_table, item_ids, axis=0)  # [B, D]
    gmf_output = user_emb * item_emb                    # [B, D]
    concat_emb = jnp.concatenate([user_emb, item_emb], axis=1)  # [B, 2D]
    mlp_output = jax.nn.relu(concat_emb @ W1 + b1)      # [B, H]
    vector_concat = jnp.concatenate([gmf_output, mlp_output], axis=1)  # [B, D+H]
    output = vector_concat @ W2 + b2                    # [B, 1]
    return jax.nn.sigmoid(output).squeeze(1)            # [B]

if __name__ == "__main__":
    import jax
    _d = setup_inputs()
    print(jax.jit(kernel)(*tuple(_d.values())))

</pallas_src>

<mosaic_0001>
#map = affine_map<(d0, d1) -> (0, 0, 0)>
#map1 = affine_map<(d0, d1) -> (0, 0)>
#map2 = affine_map<(d0, d1) -> (0, 0, 0, 0)>
module attributes {stable_mosaic.version = 14 : i64} {
  func.func @_gather_body(%arg0: i32, %arg1: i32, %arg2: memref<32x4x128xi32, #tpu.memory_space<hbm>>, %arg3: memref<32x4x128xi32, #tpu.memory_space<hbm>>, %arg4: memref<1000000x128xf32, #tpu.memory_space<hbm>>, %arg5: memref<1000000x128xf32, #tpu.memory_space<hbm>>, %arg6: memref<32x4x128x128xf32, #tpu.memory_space<hbm>>, %arg7: memref<32x4x128x128xf32, #tpu.memory_space<hbm>>, %arg8: memref<8x128xi32, #tpu.memory_space<vmem>>, %arg9: memref<7x128x128xf32, #tpu.memory_space<vmem>>, %arg10: memref<!tpu.dma_semaphore, #tpu.memory_space<semaphore_mem>>, %arg11: memref<!tpu.dma_semaphore, #tpu.memory_space<semaphore_mem>>, %arg12: memref<!tpu.dma_semaphore, #tpu.memory_space<semaphore_mem>>) attributes {dimension_semantics = [#tpu.dimension_semantics<core_parallel>, #tpu.dimension_semantics<subcore_parallel>], iteration_bounds = array<i64: 2, 16>, scalar_prefetch = 0 : i64, scratch_operands = 5 : i64, tpu.core_type = #tpu.core_type<sc_vector_subcore>, window_params = [{transform_indices = #map}, {transform_indices = #map}, {transform_indices = #map1}, {transform_indices = #map1}, {transform_indices = #map2}, {transform_indices = #map2}]} {
    %mul3A = arith.constant 2 : i32
    %mul3A_0 = arith.muli %arg1, %mul3A : i32
    %add3A = arith.addi %mul3A_0, %arg0 : i32
    %dma_start3A = arith.constant 0 : i32
    %dma_start3A_1 = arith.constant 0 : i32
    %dma_start3A_2 = tpu.memref_slice %arg8[%dma_start3A, %dma_start3A_1] : memref<8x128xi32, #tpu.memory_space<vmem>> -> memref<4x128xi32, #tpu.memory_space<vmem>>
    %dma_start3A_3 = arith.constant 0 : i32
    %dma_start3A_4 = arith.constant 0 : i32
    %dma_start3A_5 = tpu.memref_slice %arg2[%add3A, %dma_start3A_3, %dma_start3A_4] : memref<32x4x128xi32, #tpu.memory_space<hbm>> -> memref<1x4x128xi32, #tpu.memory_space<hbm>>
    %dma_start3A_6 = tpu.memref_squeeze %dma_start3A_5 : memref<1x4x128xi32, #tpu.memory_space<hbm>> -> memref<4x128xi32, #tpu.memory_space<hbm>>
    %dma_start3A_7 = arith.constant 0 : i32
    %dma_start3A_8 = arith.constant 0 : i32
    %dma_start3A_9 = tpu.memref_slice %arg8[%dma_start3A_7, %dma_start3A_8] : memref<8x128xi32, #tpu.memory_space<vmem>> -> memref<4x128xi32, #tpu.memory_space<vmem>>
    %dma_start3A_10 = arith.constant 0 : i32
    %dma_start3A_11 = arith.constant 0 : i32
    %dma_start3A_12 = tpu.memref_slice %arg2[%add3A, %dma_start3A_10, %dma_start3A_11] : memref<32x4x128xi32, #tpu.memory_space<hbm>> -> memref<1x4x128xi32, #tpu.memory_space<hbm>>
    %dma_start3A_13 = tpu.memref_squeeze %dma_start3A_12 : memref<1x4x128xi32, #tpu.memory_space<hbm>> -> memref<4x128xi32, #tpu.memory_space<hbm>>
    tpu.enqueue_dma source(%dma_start3A_13 : memref<4x128xi32, #tpu.memory_space<hbm>>) target(%dma_start3A_9 : memref<4x128xi32, #tpu.memory_space<vmem>>) target_semaphore(%arg10 : memref<!tpu.dma_semaphore, #tpu.memory_space<semaphore_mem>>)
    %dma_start3A_14 = arith.constant 4 : i32
    %dma_start3A_15 = arith.constant 0 : i32
    %dma_start3A_16 = tpu.memref_slice %arg8[%dma_start3A_14, %dma_start3A_15] : memref<8x128xi32, #tpu.memory_space<vmem>> -> memref<4x128xi32, #tpu.memory_space<vmem>>
    %dma_start3A_17 = arith.constant 0 : i32
    %dma_start3A_18 = arith.constant 0 : i32
    %dma_start3A_19 = tpu.memref_slice %arg3[%add3A, %dma_start3A_17, %dma_start3A_18] : memref<32x4x128xi32, #tpu.memory_space<hbm>> -> memref<1x4x128xi32, #tpu.memory_space<hbm>>
    %dma_start3A_20 = tpu.memref_squeeze %dma_start3A_19 : memref<1x4x128xi32, #tpu.memory_space<hbm>> -> memref<4x128xi32, #tpu.memory_space<hbm>>
    %dma_start3A_21 = arith.constant 4 : i32
    %dma_start3A_22 = arith.constant 0 : i32
    %dma_start3A_23 = tpu.memref_slice %arg8[%dma_start3A_21, %dma_start3A_22] : memref<8x128xi32, #tpu.memory_space<vmem>> -> memref<4x128xi32, #tpu.memory_space<vmem>>
    %dma_start3A_24 = arith.constant 0 : i32
    %dma_start3A_25 = arith.constant 0 : i32
    %dma_start3A_26 = tpu.memref_slice %arg3[%add3A, %dma_start3A_24, %dma_start3A_25] : memref<32x4x128xi32, #tpu.memory_space<hbm>> -> memref<1x4x128xi32, #tpu.memory_space<hbm>>
    %dma_start3A_27 = tpu.memref_squeeze %dma_start3A_26 : memref<1x4x128xi32, #tpu.memory_space<hbm>> -> memref<4x128xi32, #tpu.memory_space<hbm>>
    tpu.enqueue_dma source(%dma_start3A_27 : memref<4x128xi32, #tpu.memory_space<hbm>>) target(%dma_start3A_23 : memref<4x128xi32, #tpu.memory_space<vmem>>) target_semaphore(%arg10 : memref<!tpu.dma_semaphore, #tpu.memory_space<semaphore_mem>>)
    %dma_wait3A = arith.constant 0 : i32
    %dma_wait3A_28 = arith.constant 0 : i32
    %dma_wait3A_29 = tpu.memref_slice %arg8[%dma_wait3A, %dma_wait3A_28] : memref<8x128xi32, #tpu.memory_space<vmem>> -> memref<4x128xi32, #tpu.memory_space<vmem>>
    %dma_wait3A_30 = arith.constant 0 : i32
    %dma_wait3A_31 = arith.constant 0 : i32
    %dma_wait3A_32 = tpu.memref_slice %arg2[%add3A, %dma_wait3A_30, %dma_wait3A_31] : memref<32x4x128xi32, #tpu.memory_space<hbm>> -> memref<1x4x128xi32, #tpu.memory_space<hbm>>
    %dma_wait3A_33 = tpu.memref_squeeze %dma_wait3A_32 : memref<1x4x128xi32, #tpu.memory_space<hbm>> -> memref<4x128xi32, #tpu.memory_space<hbm>>
    %dma_wait3A_34 = arith.constant 0 : i32
    %dma_wait3A_35 = arith.constant 0 : i32
    %dma_wait3A_36 = tpu.memref_slice %arg8[%dma_wait3A_34, %dma_wait3A_35] : memref<8x128xi32, #tpu.memory_space<vmem>> -> memref<4x128xi32, #tpu.memory_space<vmem>>
    %dma_wait3A_37 = arith.constant 0 : i32
    %dma_wait3A_38 = arith.constant 0 : i32
    %dma_wait3A_39 = tpu.memref_slice %arg2[%add3A, %dma_wait3A_37, %dma_wait3A_38] : memref<32x4x128xi32, #tpu.memory_space<hbm>> -> memref<1x4x128xi32, #tpu.memory_space<hbm>>
    %dma_wait3A_40 = tpu.memref_squeeze %dma_wait3A_39 : memref<1x4x128xi32, #tpu.memory_space<hbm>> -> memref<4x128xi32, #tpu.memory_space<hbm>>
    tpu.wait_dma2 semaphore(%arg10 : memref<!tpu.dma_semaphore, #tpu.memory_space<semaphore_mem>>) src(%dma_wait3A_40 : memref<4x128xi32, #tpu.memory_space<hbm>>) dst(%dma_wait3A_36 : memref<4x128xi32, #tpu.memory_space<vmem>>)
    %dma_wait3A_41 = arith.constant 4 : i32
    %dma_wait3A_42 = arith.constant 0 : i32
    %dma_wait3A_43 = tpu.memref_slice %arg8[%dma_wait3A_41, %dma_wait3A_42] : memref<8x128xi32, #tpu.memory_space<vmem>> -> memref<4x128xi32, #tpu.memory_space<vmem>>
    %dma_wait3A_44 = arith.constant 0 : i32
    %dma_wait3A_45 = arith.constant 0 : i32
    %dma_wait3A_46 = tpu.memref_slice %arg3[%add3A, %dma_wait3A_44, %dma_wait3A_45] : memref<32x4x128xi32, #tpu.memory_space<hbm>> -> memref<1x4x128xi32, #tpu.memory_space<hbm>>
    %dma_wait3A_47 = tpu.memref_squeeze %dma_wait3A_46 : memref<1x4x128xi32, #tpu.memory_space<hbm>> -> memref<4x128xi32, #tpu.memory_space<hbm>>
    %dma_wait3A_48 = arith.constant 4 : i32
    %dma_wait3A_49 = arith.constant 0 : i32
    %dma_wait3A_50 = tpu.memref_slice %arg8[%dma_wait3A_48, %dma_wait3A_49] : memref<8x128xi32, #tpu.memory_space<vmem>> -> memref<4x128xi32, #tpu.memory_space<vmem>>
    %dma_wait3A_51 = arith.constant 0 : i32
    %dma_wait3A_52 = arith.constant 0 : i32
    %dma_wait3A_53 = tpu.memref_slice %arg3[%add3A, %dma_wait3A_51, %dma_wait3A_52] : memref<32x4x128xi32, #tpu.memory_space<hbm>> -> memref<1x4x128xi32, #tpu.memory_space<hbm>>
    %dma_wait3A_54 = tpu.memref_squeeze %dma_wait3A_53 : memref<1x4x128xi32, #tpu.memory_space<hbm>> -> memref<4x128xi32, #tpu.memory_space<hbm>>
    tpu.wait_dma2 semaphore(%arg10 : memref<!tpu.dma_semaphore, #tpu.memory_space<semaphore_mem>>) src(%dma_wait3A_54 : memref<4x128xi32, #tpu.memory_space<hbm>>) dst(%dma_wait3A_50 : memref<4x128xi32, #tpu.memory_space<vmem>>)
    %dma_start3A_55 = arith.constant 0 : i32
    %dma_start3A_56 = arith.constant 0 : i32
    %dma_start3A_57 = arith.constant 0 : i32
    %dma_start3A_58 = arith.constant 0 : i32
    %dma_start3A_59 = tpu.memref_slice %arg9[%dma_start3A_56, %dma_start3A_57, %dma_start3A_58] : memref<7x128x128xf32, #tpu.memory_space<vmem>> -> memref<1x128x128xf32, #tpu.memory_space<vmem>>
    %dma_start3A_60 = tpu.memref_squeeze %dma_start3A_59 : memref<1x128x128xf32, #tpu.memory_space<vmem>> -> memref<128x128xf32, #tpu.memory_space<vmem>>
    %dma_start3A_61 = arith.constant 0 : i32
    %dma_start3A_62 = tpu.memref_slice %arg8[%dma_start3A_55, %dma_start3A_61] : memref<8x128xi32, #tpu.memory_space<vmem>> -> memref<1x128xi32, #tpu.memory_space<vmem>>
    %dma_start3A_63 = tpu.memref_squeeze %dma_start3A_62 : memref<1x128xi32, #tpu.memory_space<vmem>> -> memref<128xi32, #tpu.memory_space<vmem>>
    %dma_start3A_64 = arith.constant 0 : i32
    %dma_start3A_65 = arith.constant 0 : i32
    %dma_start3A_66 = tpu.memref_slice %arg4[%dma_start3A_64, %dma_start3A_65] : memref<1000000x128xf32, #tpu.memory_space<hbm>> -> memref<1000000x128xf32, #tpu.memory_space<hbm>>
    tpu.enqueue_indirect_dma source(%dma_start3A_66 : memref<1000000x128xf32, #tpu.memory_space<hbm>>) target(%dma_start3A_60 : memref<128x128xf32, #tpu.memory_space<vmem>>) offsets(%dma_start3A_63 : memref<128xi32, #tpu.memory_space<vmem>>) semaphore(%arg11 : memref<!tpu.dma_semaphore, #tpu.memory_space<semaphore_mem>>)
    %dma_start3A_67 = arith.constant 1 : i32
    %dma_start3A_68 = arith.constant 1 : i32
    %dma_start3A_69 = arith.constant 0 : i32
    %dma_start3A_70 = arith.constant 0 : i32
    %dma_start3A_71 = tpu.memref_slice %arg9[%dma_start3A_68, %dma_start3A_69, %dma_start3A_70] : memref<7x128x128xf32, #tpu.memory_space<vmem>> -> memref<1x128x128xf32, #tpu.memory_space<vmem>>
    %dma_start3A_72 = tpu.memref_squeeze %dma_start3A_71 : memref<1x128x128xf32, #tpu.memory_space<vmem>> -> memref<128x128xf32, #tpu.memory_space<vmem>>
    %dma_start3A_73 = arith.constant 0 : i32
    %dma_start3A_74 = tpu.memref_slice %arg8[%dma_start3A_67, %dma_start3A_73] : memref<8x128xi32, #tpu.memory_space<vmem>> -> memref<1x128xi32, #tpu.memory_space<vmem>>
    %dma_start3A_75 = tpu.memref_squeeze %dma_start3A_74 : memref<1x128xi32, #tpu.memory_space<vmem>> -> memref<128xi32, #tpu.memory_space<vmem>>
    %dma_start3A_76 = arith.constant 0 : i32
    %dma_start3A_77 = arith.constant 0 : i32
    %dma_start3A_78 = tpu.memref_slice %arg4[%dma_start3A_76, %dma_start3A_77] : memref<1000000x128xf32, #tpu.memory_space<hbm>> -> memref<1000000x128xf32, #tpu.memory_space<hbm>>
    tpu.enqueue_indirect_dma source(%dma_start3A_78 : memref<1000000x128xf32, #tpu.memory_space<hbm>>) target(%dma_start3A_72 : memref<128x128xf32, #tpu.memory_space<vmem>>) offsets(%dma_start3A_75 : memref<128xi32, #tpu.memory_space<vmem>>) semaphore(%arg11 : memref<!tpu.dma_semaphore, #tpu.memory_space<semaphore_mem>>)
    %dma_start3A_79 = arith.constant 2 : i32
    %dma_start3A_80 = arith.constant 2 : i32
    %dma_start3A_81 = arith.constant 0 : i32
    %dma_start3A_82 = arith.constant 0 : i32
    %dma_start3A_83 = tpu.memref_slice %arg9[%dma_start3A_80, %dma_start3A_81, %dma_start3A_82] : memref<7x128x128xf32, #tpu.memory_space<vmem>> -> memref<1x128x128xf32, #tpu.memory_space<vmem>>
    %dma_start3A_84 = tpu.memref_squeeze %dma_start3A_83 : memref<1x128x128xf32, #tpu.memory_space<vmem>> -> memref<128x128xf32, #tpu.memory_space<vmem>>
    %dma_start3A_85 = arith.constant 0 : i32
    %dma_start3A_86 = tpu.memref_slice %arg8[%dma_start3A_79, %dma_start3A_85] : memref<8x128xi32, #tpu.memory_space<vmem>> -> memref<1x128xi32, #tpu.memory_space<vmem>>
    %dma_start3A_87 = tpu.memref_squeeze %dma_start3A_86 : memref<1x128xi32, #tpu.memory_space<vmem>> -> memref<128xi32, #tpu.memory_space<vmem>>
    %dma_start3A_88 = arith.constant 0 : i32
    %dma_start3A_89 = arith.constant 0 : i32
    %dma_start3A_90 = tpu.memref_slice %arg4[%dma_start3A_88, %dma_start3A_89] : memref<1000000x128xf32, #tpu.memory_space<hbm>> -> memref<1000000x128xf32, #tpu.memory_space<hbm>>
    tpu.enqueue_indirect_dma source(%dma_start3A_90 : memref<1000000x128xf32, #tpu.memory_space<hbm>>) target(%dma_start3A_84 : memref<128x128xf32, #tpu.memory_space<vmem>>) offsets(%dma_start3A_87 : memref<128xi32, #tpu.memory_space<vmem>>) semaphore(%arg11 : memref<!tpu.dma_semaphore, #tpu.memory_space<semaphore_mem>>)
    %dma_start3A_91 = arith.constant 3 : i32
    %dma_start3A_92 = arith.constant 3 : i32
    %dma_start3A_93 = arith.constant 0 : i32
    %dma_start3A_94 = arith.constant 0 : i32
    %dma_start3A_95 = tpu.memref_slice %arg9[%dma_start3A_92, %dma_start3A_93, %dma_start3A_94] : memref<7x128x128xf32, #tpu.memory_space<vmem>> -> memref<1x128x128xf32, #tpu.memory_space<vmem>>
    %dma_start3A_96 = tpu.memref_squeeze %dma_start3A_95 : memref<1x128x128xf32, #tpu.memory_space<vmem>> -> memref<128x128xf32, #tpu.memory_space<vmem>>
    %dma_start3A_97 = arith.constant 0 : i32
    %dma_start3A_98 = tpu.memref_slice %arg8[%dma_start3A_91, %dma_start3A_97] : memref<8x128xi32, #tpu.memory_space<vmem>> -> memref<1x128xi32, #tpu.memory_space<vmem>>
    %dma_start3A_99 = tpu.memref_squeeze %dma_start3A_98 : memref<1x128xi32, #tpu.memory_space<vmem>> -> memref<128xi32, #tpu.memory_space<vmem>>
    %dma_start3A_100 = arith.constant 0 : i32
    %dma_start3A_101 = arith.constant 0 : i32
    %dma_start3A_102 = tpu.memref_slice %arg4[%dma_start3A_100, %dma_start3A_101] : memref<1000000x128xf32, #tpu.memory_space<hbm>> -> memref<1000000x128xf32, #tpu.memory_space<hbm>>
    tpu.enqueue_indirect_dma source(%dma_start3A_102 : memref<1000000x128xf32, #tpu.memory_space<hbm>>) target(%dma_start3A_96 : memref<128x128xf32, #tpu.memory_space<vmem>>) offsets(%dma_start3A_99 : memref<128xi32, #tpu.memory_space<vmem>>) semaphore(%arg11 : memref<!tpu.dma_semaphore, #tpu.memory_space<semaphore_mem>>)
    %dma_start3A_103 = arith.constant 4 : i32
    %dma_start3A_104 = arith.constant 4 : i32
    %dma_start3A_105 = arith.constant 0 : i32
    %dma_start3A_106 = arith.constant 0 : i32
    %dma_start3A_107 = tpu.memref_slice %arg9[%dma_start3A_104, %dma_start3A_105, %dma_start3A_106] : memref<7x128x128xf32, #tpu.memory_space<vmem>> -> memref<1x128x128xf32, #tpu.memory_space<vmem>>
    %dma_start3A_108 = tpu.memref_squeeze %dma_start3A_107 : memref<1x128x128xf32, #tpu.memory_space<vmem>> -> memref<128x128xf32, #tpu.memory_space<vmem>>
    %dma_start3A_109 = arith.constant 0 : i32
    %dma_start3A_110 = tpu.memref_slice %arg8[%dma_start3A_103, %dma_start3A_109] : memref<8x128xi32, #tpu.memory_space<vmem>> -> memref<1x128xi32, #tpu.memory_space<vmem>>
    %dma_start3A_111 = tpu.memref_squeeze %dma_start3A_110 : memref<1x128xi32, #tpu.memory_space<vmem>> -> memref<128xi32, #tpu.memory_space<vmem>>
    %dma_start3A_112 = arith.constant 0 : i32
    %dma_start3A_113 = arith.constant 0 : i32
    %dma_start3A_114 = tpu.memref_slice %arg5[%dma_start3A_112, %dma_start3A_113] : memref<1000000x128xf32, #tpu.memory_space<hbm>> -> memref<1000000x128xf32, #tpu.memory_space<hbm>>
    tpu.enqueue_indirect_dma source(%dma_start3A_114 : memref<1000000x128xf32, #tpu.memory_space<hbm>>) target(%dma_start3A_108 : memref<128x128xf32, #tpu.memory_space<vmem>>) offsets(%dma_start3A_111 : memref<128xi32, #tpu.memory_space<vmem>>) semaphore(%arg11 : memref<!tpu.dma_semaphore, #tpu.memory_space<semaphore_mem>>)
    %dma_start3A_115 = arith.constant 5 : i32
    %dma_start3A_116 = arith.constant 5 : i32
    %dma_start3A_117 = arith.constant 0 : i32
    %dma_start3A_118 = arith.constant 0 : i32
    %dma_start3A_119 = tpu.memref_slice %arg9[%dma_start3A_116, %dma_start3A_117, %dma_start3A_118] : memref<7x128x128xf32, #tpu.memory_space<vmem>> -> memref<1x128x128xf32, #tpu.memory_space<vmem>>
    %dma_start3A_120 = tpu.memref_squeeze %dma_start3A_119 : memref<1x128x128xf32, #tpu.memory_space<vmem>> -> memref<128x128xf32, #tpu.memory_space<vmem>>
    %dma_start3A_121 = arith.constant 0 : i32
    %dma_start3A_122 = tpu.memref_slice %arg8[%dma_start3A_115, %dma_start3A_121] : memref<8x128xi32, #tpu.memory_space<vmem>> -> memref<1x128xi32, #tpu.memory_space<vmem>>
    %dma_start3A_123 = tpu.memref_squeeze %dma_start3A_122 : memref<1x128xi32, #tpu.memory_space<vmem>> -> memref<128xi32, #tpu.memory_space<vmem>>
    %dma_start3A_124 = arith.constant 0 : i32
    %dma_start3A_125 = arith.constant 0 : i32
    %dma_start3A_126 = tpu.memref_slice %arg5[%dma_start3A_124, %dma_start3A_125] : memref<1000000x128xf32, #tpu.memory_space<hbm>> -> memref<1000000x128xf32, #tpu.memory_space<hbm>>
    tpu.enqueue_indirect_dma source(%dma_start3A_126 : memref<1000000x128xf32, #tpu.memory_space<hbm>>) target(%dma_start3A_120 : memref<128x128xf32, #tpu.memory_space<vmem>>) offsets(%dma_start3A_123 : memref<128xi32, #tpu.memory_space<vmem>>) semaphore(%arg11 : memref<!tpu.dma_semaphore, #tpu.memory_space<semaphore_mem>>)
    %dma_start3A_127 = arith.constant 6 : i32
    %dma_start3A_128 = arith.constant 6 : i32
    %dma_start3A_129 = arith.constant 0 : i32
    %dma_start3A_130 = arith.constant 0 : i32
    %dma_start3A_131 = tpu.memref_slice %arg9[%dma_start3A_128, %dma_start3A_129, %dma_start3A_130] : memref<7x128x128xf32, #tpu.memory_space<vmem>> -> memref<1x128x128xf32, #tpu.memory_space<vmem>>
    %dma_start3A_132 = tpu.memref_squeeze %dma_start3A_131 : memref<1x128x128xf32, #tpu.memory_space<vmem>> -> memref<128x128xf32, #tpu.memory_space<vmem>>
    %dma_start3A_133 = arith.constant 0 : i32
    %dma_start3A_134 = tpu.memref_slice %arg8[%dma_start3A_127, %dma_start3A_133] : memref<8x128xi32, #tpu.memory_space<vmem>> -> memref<1x128xi32, #tpu.memory_space<vmem>>
    %dma_start3A_135 = tpu.memref_squeeze %dma_start3A_134 : memref<1x128xi32, #tpu.memory_space<vmem>> -> memref<128xi32, #tpu.memory_space<vmem>>
    %dma_start3A_136 = arith.constant 0 : i32
    %dma_start3A_137 = arith.constant 0 : i32
    %dma_start3A_138 = tpu.memref_slice %arg5[%dma_start3A_136, %dma_start3A_137] : memref<1000000x128xf32, #tpu.memory_space<hbm>> -> memref<1000000x128xf32, #tpu.memory_space<hbm>>
    tpu.enqueue_indirect_dma source(%dma_start3A_138 : memref<1000000x128xf32, #tpu.memory_space<hbm>>) target(%dma_start3A_132 : memref<128x128xf32, #tpu.memory_space<vmem>>) offsets(%dma_start3A_135 : memref<128xi32, #tpu.memory_space<vmem>>) semaphore(%arg11 : memref<!tpu.dma_semaphore, #tpu.memory_space<semaphore_mem>>)
    %dma_wait3A_139 = arith.constant 0 : i32
    %dma_wait3A_140 = arith.constant 0 : i32
    %dma_wait3A_141 = arith.constant 0 : i32
    %dma_wait3A_142 = arith.constant 0 : i32
    %dma_wait3A_143 = tpu.memref_slice %arg9[%dma_wait3A_140, %dma_wait3A_141, %dma_wait3A_142] : memref<7x128x128xf32, #tpu.memory_space<vmem>> -> memref<1x128x128xf32, #tpu.memory_space<vmem>>
    %dma_wait3A_144 = tpu.memref_squeeze %dma_wait3A_143 : memref<1x128x128xf32, #tpu.memory_space<vmem>> -> memref<128x128xf32, #tpu.memory_space<vmem>>
    %dma_wait3A_145 = arith.constant 0 : i32
    %dma_wait3A_146 = tpu.memref_slice %arg8[%dma_wait3A_139, %dma_wait3A_145] : memref<8x128xi32, #tpu.memory_space<vmem>> -> memref<1x128xi32, #tpu.memory_space<vmem>>
    %dma_wait3A_147 = tpu.memref_squeeze %dma_wait3A_146 : memref<1x128xi32, #tpu.memory_space<vmem>> -> memref<128xi32, #tpu.memory_space<vmem>>
    %dma_wait3A_148 = arith.constant 0 : i32
    %dma_wait3A_149 = arith.constant 0 : i32
    %dma_wait3A_150 = tpu.memref_slice %arg4[%dma_wait3A_148, %dma_wait3A_149] : memref<1000000x128xf32, #tpu.memory_space<hbm>> -> memref<1000000x128xf32, #tpu.memory_space<hbm>>
    tpu.wait_indirect_dma semaphore(%arg11 : memref<!tpu.dma_semaphore, #tpu.memory_space<semaphore_mem>>) src(%dma_wait3A_150 : memref<1000000x128xf32, #tpu.memory_space<hbm>>) dst(%dma_wait3A_144 : memref<128x128xf32, #tpu.memory_space<vmem>>)
    %dma_start3A_151 = arith.constant 0 : i32
    %dma_start3A_152 = arith.constant 0 : i32
    %dma_start3A_153 = arith.constant 0 : i32
    %dma_start3A_154 = arith.constant 0 : i32
    %dma_start3A_155 = tpu.memref_slice %arg9[%dma_start3A_151, %dma_start3A_153, %dma_start3A_154] : memref<7x128x128xf32, #tpu.memory_space<vmem>> -> memref<1x128x128xf32, #tpu.memory_space<vmem>>
    %dma_start3A_156 = tpu.memref_squeeze %dma_start3A_155 : memref<1x128x128xf32, #tpu.memory_space<vmem>> -> memref<128x128xf32, #tpu.memory_space<vmem>>
    %dma_start3A_157 = arith.constant 0 : i32
    %dma_start3A_158 = arith.constant 0 : i32
    %dma_start3A_159 = tpu.memref_slice %arg6[%add3A, %dma_start3A_152, %dma_start3A_157, %dma_start3A_158] : memref<32x4x128x128xf32, #tpu.memory_space<hbm>> -> memref<1x1x128x128xf32, #tpu.memory_space<hbm>>
    %dma_start3A_160 = tpu.memref_squeeze %dma_start3A_159 : memref<1x1x128x128xf32, #tpu.memory_space<hbm>> -> memref<128x128xf32, #tpu.memory_space<hbm>>
    %dma_start3A_161 = arith.constant 0 : i32
    %dma_start3A_162 = arith.constant 0 : i32
    %dma_start3A_163 = tpu.memref_slice %arg6[%add3A, %dma_start3A_152, %dma_start3A_161, %dma_start3A_162] : memref<32x4x128x128xf32, #tpu.memory_space<hbm>> -> memref<1x1x128x128xf32, #tpu.memory_space<hbm>>
    %dma_start3A_164 = tpu.memref_squeeze %dma_start3A_163 : memref<1x1x128x128xf32, #tpu.memory_space<hbm>> -> memref<128x128xf32, #tpu.memory_space<hbm>>
    %dma_start3A_165 = arith.constant 0 : i32
    %dma_start3A_166 = arith.constant 0 : i32
    %dma_start3A_167 = tpu.memref_slice %arg9[%dma_start3A_151, %dma_start3A_165, %dma_start3A_166] : memref<7x128x128xf32, #tpu.memory_space<vmem>> -> memref<1x128x128xf32, #tpu.memory_space<vmem>>
    %dma_start3A_168 = tpu.memref_squeeze %dma_start3A_167 : memref<1x128x128xf32, #tpu.memory_space<vmem>> -> memref<128x128xf32, #tpu.memory_space<vmem>>
    tpu.enqueue_dma source(%dma_start3A_168 : memref<128x128xf32, #tpu.memory_space<vmem>>) target(%dma_start3A_164 : memref<128x128xf32, #tpu.memory_space<hbm>>) target_semaphore(%arg12 : memref<!tpu.dma_semaphore, #tpu.memory_space<semaphore_mem>>)
    %dma_wait3A_169 = arith.constant 0 : i32
    %dma_wait3A_170 = arith.constant 0 : i32
    %dma_wait3A_171 = arith.constant 0 : i32
    %dma_wait3A_172 = arith.constant 0 : i32
    %dma_wait3A_173 = tpu.memref_slice %arg9[%dma_wait3A_169, %dma_wait3A_171, %dma_wait3A_172] : memref<7x128x128xf32, #tpu.memory_space<vmem>> -> memref<1x128x128xf32, #tpu.memory_space<vmem>>
    %dma_wait3A_174 = tpu.memref_squeeze %dma_wait3A_173 : memref<1x128x128xf32, #tpu.memory_space<vmem>> -> memref<128x128xf32, #tpu.memory_space<vmem>>
    %dma_wait3A_175 = arith.constant 0 : i32
    %dma_wait3A_176 = arith.constant 0 : i32
    %dma_wait3A_177 = tpu.memref_slice %arg6[%add3A, %dma_wait3A_170, %dma_wait3A_175, %dma_wait3A_176] : memref<32x4x128x128xf32, #tpu.memory_space<hbm>> -> memref<1x1x128x128xf32, #tpu.memory_space<hbm>>
    %dma_wait3A_178 = tpu.memref_squeeze %dma_wait3A_177 : memref<1x1x128x128xf32, #tpu.memory_space<hbm>> -> memref<128x128xf32, #tpu.memory_space<hbm>>
    %dma_wait3A_179 = arith.constant 0 : i32
    %dma_wait3A_180 = arith.constant 0 : i32
    %dma_wait3A_181 = tpu.memref_slice %arg6[%add3A, %dma_wait3A_170, %dma_wait3A_179, %dma_wait3A_180] : memref<32x4x128x128xf32, #tpu.memory_space<hbm>> -> memref<1x1x128x128xf32, #tpu.memory_space<hbm>>
    %dma_wait3A_182 = tpu.memref_squeeze %dma_wait3A_181 : memref<1x1x128x128xf32, #tpu.memory_space<hbm>> -> memref<128x128xf32, #tpu.memory_space<hbm>>
    %dma_wait3A_183 = arith.constant 0 : i32
    %dma_wait3A_184 = arith.constant 0 : i32
    %dma_wait3A_185 = tpu.memref_slice %arg9[%dma_wait3A_169, %dma_wait3A_183, %dma_wait3A_184] : memref<7x128x128xf32, #tpu.memory_space<vmem>> -> memref<1x128x128xf32, #tpu.memory_space<vmem>>
    %dma_wait3A_186 = tpu.memref_squeeze %dma_wait3A_185 : memref<1x128x128xf32, #tpu.memory_space<vmem>> -> memref<128x128xf32, #tpu.memory_space<vmem>>
    tpu.wait_dma2 semaphore(%arg12 : memref<!tpu.dma_semaphore, #tpu.memory_space<semaphore_mem>>) src(%dma_wait3A_186 : memref<128x128xf32, #tpu.memory_space<vmem>>) dst(%dma_wait3A_182 : memref<128x128xf32, #tpu.memory_space<hbm>>)
    %dma_start3A_187 = arith.constant 7 : i32
    %dma_start3A_188 = arith.constant 0 : i32
    %dma_start3A_189 = arith.constant 0 : i32
    %dma_start3A_190 = arith.constant 0 : i32
    %dma_start3A_191 = tpu.memref_slice %arg9[%dma_start3A_188, %dma_start3A_189, %dma_start3A_190] : memref<7x128x128xf32, #tpu.memory_space<vmem>> -> memref<1x128x128xf32, #tpu.memory_space<vmem>>
    %dma_start3A_192 = tpu.memref_squeeze %dma_start3A_191 : memref<1x128x128xf32, #tpu.memory_space<vmem>> -> memref<128x128xf32, #tpu.memory_space<vmem>>
    %dma_start3A_193 = arith.constant 0 : i32
    %dma_start3A_194 = tpu.memref_slice %arg8[%dma_start3A_187, %dma_start3A_193] : memref<8x128xi32, #tpu.memory_space<vmem>> -> memref<1x128xi32, #tpu.memory_space<vmem>>
    %dma_start3A_195 = tpu.memref_squeeze %dma_start3A_194 : memref<1x128xi32, #tpu.memory_space<vmem>> -> memref<128xi32, #tpu.memory_space<vmem>>
    %dma_start3A_196 = arith.constant 0 : i32
    %dma_start3A_197 = arith.constant 0 : i32
    %dma_start3A_198 = tpu.memref_slice %arg5[%dma_start3A_196, %dma_start3A_197] : memref<1000000x128xf32, #tpu.memory_space<hbm>> -> memref<1000000x128xf32, #tpu.memory_space<hbm>>
    tpu.enqueue_indirect_dma source(%dma_start3A_198 : memref<1000000x128xf32, #tpu.memory_space<hbm>>) target(%dma_start3A_192 : memref<128x128xf32, #tpu.memory_space<vmem>>) offsets(%dma_start3A_195 : memref<128xi32, #tpu.memory_space<vmem>>) semaphore(%arg11 : memref<!tpu.dma_semaphore, #tpu.memory_space<semaphore_mem>>)
    %dma_wait3A_199 = arith.constant 1 : i32
    %dma_wait3A_200 = arith.constant 1 : i32
    %dma_wait3A_201 = arith.constant 0 : i32
    %dma_wait3A_202 = arith.constant 0 : i32
    %dma_wait3A_203 = tpu.memref_slice %arg9[%dma_wait3A_200, %dma_wait3A_201, %dma_wait3A_202] : memref<7x128x128xf32, #tpu.memory_space<vmem>> -> memref<1x128x128xf32, #tpu.memory_space<vmem>>
    %dma_wait3A_204 = tpu.memref_squeeze %dma_wait3A_203 : memref<1x128x128xf32, #tpu.memory_space<vmem>> -> memref<128x128xf32, #tpu.memory_space<vmem>>
    %dma_wait3A_205 = arith.constant 0 : i32
    %dma_wait3A_206 = tpu.memref_slice %arg8[%dma_wait3A_199, %dma_wait3A_205] : memref<8x128xi32, #tpu.memory_space<vmem>> -> memref<1x128xi32, #tpu.memory_space<vmem>>
    %dma_wait3A_207 = tpu.memref_squeeze %dma_wait3A_206 : memref<1x128xi32, #tpu.memory_space<vmem>> -> memref<128xi32, #tpu.memory_space<vmem>>
    %dma_wait3A_208 = arith.constant 0 : i32
    %dma_wait3A_209 = arith.constant 0 : i32
    %dma_wait3A_210 = tpu.memref_slice %arg4[%dma_wait3A_208, %dma_wait3A_209] : memref<1000000x128xf32, #tpu.memory_space<hbm>> -> memref<1000000x128xf32, #tpu.memory_space<hbm>>
    tpu.wait_indirect_dma semaphore(%arg11 : memref<!tpu.dma_semaphore, #tpu.memory_space<semaphore_mem>>) src(%dma_wait3A_210 : memref<1000000x128xf32, #tpu.memory_space<hbm>>) dst(%dma_wait3A_204 : memref<128x128xf32, #tpu.memory_space<vmem>>)
    %dma_start3A_211 = arith.constant 1 : i32
    %dma_start3A_212 = arith.constant 1 : i32
    %dma_start3A_213 = arith.constant 0 : i32
    %dma_start3A_214 = arith.constant 0 : i32
    %dma_start3A_215 = tpu.memref_slice %arg9[%dma_start3A_211, %dma_start3A_213, %dma_start3A_214] : memref<7x128x128xf32, #tpu.memory_space<vmem>> -> memref<1x128x128xf32, #tpu.memory_space<vmem>>
    %dma_start3A_216 = tpu.memref_squeeze %dma_start3A_215 : memref<1x128x128xf32, #tpu.memory_space<vmem>> -> memref<128x128xf32, #tpu.memory_space<vmem>>
    %dma_start3A_217 = arith.constant 0 : i32
    %dma_start3A_218 = arith.constant 0 : i32
    %dma_start3A_219 = tpu.memref_slice %arg6[%add3A, %dma_start3A_212, %dma_start3A_217, %dma_start3A_218] : memref<32x4x128x128xf32, #tpu.memory_space<hbm>> -> memref<1x1x128x128xf32, #tpu.memory_space<hbm>>
    %dma_start3A_220 = tpu.memref_squeeze %dma_start3A_219 : memref<1x1x128x128xf32, #tpu.memory_space<hbm>> -> memref<128x128xf32, #tpu.memory_space<hbm>>
    %dma_start3A_221 = arith.constant 0 : i32
    %dma_start3A_222 = arith.constant 0 : i32
    %dma_start3A_223 = tpu.memref_slice %arg6[%add3A, %dma_start3A_212, %dma_start3A_221, %dma_start3A_222] : memref<32x4x128x128xf32, #tpu.memory_space<hbm>> -> memref<1x1x128x128xf32, #tpu.memory_space<hbm>>
    %dma_start3A_224 = tpu.memref_squeeze %dma_start3A_223 : memref<1x1x128x128xf32, #tpu.memory_space<hbm>> -> memref<128x128xf32, #tpu.memory_space<hbm>>
    %dma_start3A_225 = arith.constant 0 : i32
    %dma_start3A_226 = arith.constant 0 : i32
    %dma_start3A_227 = tpu.memref_slice %arg9[%dma_start3A_211, %dma_start3A_225, %dma_start3A_226] : memref<7x128x128xf32, #tpu.memory_space<vmem>> -> memref<1x128x128xf32, #tpu.memory_space<vmem>>
    %dma_start3A_228 = tpu.memref_squeeze %dma_start3A_227 : memref<1x128x128xf32, #tpu.memory_space<vmem>> -> memref<128x128xf32, #tpu.memory_space<vmem>>
    tpu.enqueue_dma source(%dma_start3A_228 : memref<128x128xf32, #tpu.memory_space<vmem>>) target(%dma_start3A_224 : memref<128x128xf32, #tpu.memory_space<hbm>>) target_semaphore(%arg12 : memref<!tpu.dma_semaphore, #tpu.memory_space<semaphore_mem>>)
    %dma_wait3A_229 = arith.constant 2 : i32
    %dma_wait3A_230 = arith.constant 2 : i32
    %dma_wait3A_231 = arith.constant 0 : i32
    %dma_wait3A_232 = arith.constant 0 : i32
    %dma_wait3A_233 = tpu.memref_slice %arg9[%dma_wait3A_230, %dma_wait3A_231, %dma_wait3A_232] : memref<7x128x128xf32, #tpu.memory_space<vmem>> -> memref<1x128x128xf32, #tpu.memory_space<vmem>>
    %dma_wait3A_234 = tpu.memref_squeeze %dma_wait3A_233 : memref<1x128x128xf32, #tpu.memory_space<vmem>> -> memref<128x128xf32, #tpu.memory_space<vmem>>
    %dma_wait3A_235 = arith.constant 0 : i32
    %dma_wait3A_236 = tpu.memref_slice %arg8[%dma_wait3A_229, %dma_wait3A_235] : memref<8x128xi32, #tpu.memory_space<vmem>> -> memref<1x128xi32, #tpu.memory_space<vmem>>
    %dma_wait3A_237 = tpu.memref_squeeze %dma_wait3A_236 : memref<1x128xi32, #tpu.memory_space<vmem>> -> memref<128xi32, #tpu.memory_space<vmem>>
    %dma_wait3A_238 = arith.constant 0 : i32
    %dma_wait3A_239 = arith.constant 0 : i32
    %dma_wait3A_240 = tpu.memref_slice %arg4[%dma_wait3A_238, %dma_wait3A_239] : memref<1000000x128xf32, #tpu.memory_space<hbm>> -> memref<1000000x128xf32, #tpu.memory_space<hbm>>
    tpu.wait_indirect_dma semaphore(%arg11 : memref<!tpu.dma_semaphore, #tpu.memory_space<semaphore_mem>>) src(%dma_wait3A_240 : memref<1000000x128xf32, #tpu.memory_space<hbm>>) dst(%dma_wait3A_234 : memref<128x128xf32, #tpu.memory_space<vmem>>)
    %dma_start3A_241 = arith.constant 2 : i32
    %dma_start3A_242 = arith.constant 2 : i32
    %dma_start3A_243 = arith.constant 0 : i32
    %dma_start3A_244 = arith.constant 0 : i32
    %dma_start3A_245 = tpu.memref_slice %arg9[%dma_start3A_241, %dma_start3A_243, %dma_start3A_244] : memref<7x128x128xf32, #tpu.memory_space<vmem>> -> memref<1x128x128xf32, #tpu.memory_space<vmem>>
    %dma_start3A_246 = tpu.memref_squeeze %dma_start3A_245 : memref<1x128x128xf32, #tpu.memory_space<vmem>> -> memref<128x128xf32, #tpu.memory_space<vmem>>
    %dma_start3A_247 = arith.constant 0 : i32
    %dma_start3A_248 = arith.constant 0 : i32
    %dma_start3A_249 = tpu.memref_slice %arg6[%add3A, %dma_start3A_242, %dma_start3A_247, %dma_start3A_248] : memref<32x4x128x128xf32, #tpu.memory_space<hbm>> -> memref<1x1x128x128xf32, #tpu.memory_space<hbm>>
    %dma_start3A_250 = tpu.memref_squeeze %dma_start3A_249 : memref<1x1x128x128xf32, #tpu.memory_space<hbm>> -> memref<128x128xf32, #tpu.memory_space<hbm>>
    %dma_start3A_251 = arith.constant 0 : i32
    %dma_start3A_252 = arith.constant 0 : i32
    %dma_start3A_253 = tpu.memref_slice %arg6[%add3A, %dma_start3A_242, %dma_start3A_251, %dma_start3A_252] : memref<32x4x128x128xf32, #tpu.memory_space<hbm>> -> memref<1x1x128x128xf32, #tpu.memory_space<hbm>>
    %dma_start3A_254 = tpu.memref_squeeze %dma_start3A_253 : memref<1x1x128x128xf32, #tpu.memory_space<hbm>> -> memref<128x128xf32, #tpu.memory_space<hbm>>
    %dma_start3A_255 = arith.constant 0 : i32
    %dma_start3A_256 = arith.constant 0 : i32
    %dma_start3A_257 = tpu.memref_slice %arg9[%dma_start3A_241, %dma_start3A_255, %dma_start3A_256] : memref<7x128x128xf32, #tpu.memory_space<vmem>> -> memref<1x128x128xf32, #tpu.memory_space<vmem>>
    %dma_start3A_258 = tpu.memref_squeeze %dma_start3A_257 : memref<1x128x128xf32, #tpu.memory_space<vmem>> -> memref<128x128xf32, #tpu.memory_space<vmem>>
    tpu.enqueue_dma source(%dma_start3A_258 : memref<128x128xf32, #tpu.memory_space<vmem>>) target(%dma_start3A_254 : memref<128x128xf32, #tpu.memory_space<hbm>>) target_semaphore(%arg12 : memref<!tpu.dma_semaphore, #tpu.memory_space<semaphore_mem>>)
    %dma_wait3A_259 = arith.constant 3 : i32
    %dma_wait3A_260 = arith.constant 3 : i32
    %dma_wait3A_261 = arith.constant 0 : i32
    %dma_wait3A_262 = arith.constant 0 : i32
    %dma_wait3A_263 = tpu.memref_slice %arg9[%dma_wait3A_260, %dma_wait3A_261, %dma_wait3A_262] : memref<7x128x128xf32, #tpu.memory_space<vmem>> -> memref<1x128x128xf32, #tpu.memory_space<vmem>>
    %dma_wait3A_264 = tpu.memref_squeeze %dma_wait3A_263 : memref<1x128x128xf32, #tpu.memory_space<vmem>> -> memref<128x128xf32, #tpu.memory_space<vmem>>
    %dma_wait3A_265 = arith.constant 0 : i32
    %dma_wait3A_266 = tpu.memref_slice %arg8[%dma_wait3A_259, %dma_wait3A_265] : memref<8x128xi32, #tpu.memory_space<vmem>> -> memref<1x128xi32, #tpu.memory_space<vmem>>
    %dma_wait3A_267 = tpu.memref_squeeze %dma_wait3A_266 : memref<1x128xi32, #tpu.memory_space<vmem>> -> memref<128xi32, #tpu.memory_space<vmem>>
    %dma_wait3A_268 = arith.constant 0 : i32
    %dma_wait3A_269 = arith.constant 0 : i32
    %dma_wait3A_270 = tpu.memref_slice %arg4[%dma_wait3A_268, %dma_wait3A_269] : memref<1000000x128xf32, #tpu.memory_space<hbm>> -> memref<1000000x128xf32, #tpu.memory_space<hbm>>
    tpu.wait_indirect_dma semaphore(%arg11 : memref<!tpu.dma_semaphore, #tpu.memory_space<semaphore_mem>>) src(%dma_wait3A_270 : memref<1000000x128xf32, #tpu.memory_space<hbm>>) dst(%dma_wait3A_264 : memref<128x128xf32, #tpu.memory_space<vmem>>)
    %dma_start3A_271 = arith.constant 3 : i32
    %dma_start3A_272 = arith.constant 3 : i32
    %dma_start3A_273 = arith.constant 0 : i32
    %dma_start3A_274 = arith.constant 0 : i32
    %dma_start3A_275 = tpu.memref_slice %arg9[%dma_start3A_271, %dma_start3A_273, %dma_start3A_274] : memref<7x128x128xf32, #tpu.memory_space<vmem>> -> memref<1x128x128xf32, #tpu.memory_space<vmem>>
    %dma_start3A_276 = tpu.memref_squeeze %dma_start3A_275 : memref<1x128x128xf32, #tpu.memory_space<vmem>> -> memref<128x128xf32, #tpu.memory_space<vmem>>
    %dma_start3A_277 = arith.constant 0 : i32
    %dma_start3A_278 = arith.constant 0 : i32
    %dma_start3A_279 = tpu.memref_slice %arg6[%add3A, %dma_start3A_272, %dma_start3A_277, %dma_start3A_278] : memref<32x4x128x128xf32, #tpu.memory_space<hbm>> -> memref<1x1x128x128xf32, #tpu.memory_space<hbm>>
    %dma_start3A_280 = tpu.memref_squeeze %dma_start3A_279 : memref<1x1x128x128xf32, #tpu.memory_space<hbm>> -> memref<128x128xf32, #tpu.memory_space<hbm>>
    %dma_start3A_281 = arith.constant 0 : i32
    %dma_start3A_282 = arith.constant 0 : i32
    %dma_start3A_283 = tpu.memref_slice %arg6[%add3A, %dma_start3A_272, %dma_start3A_281, %dma_start3A_282] : memref<32x4x128x128xf32, #tpu.memory_space<hbm>> -> memref<1x1x128x128xf32, #tpu.memory_space<hbm>>
    %dma_start3A_284 = tpu.memref_squeeze %dma_start3A_283 : memref<1x1x128x128xf32, #tpu.memory_space<hbm>> -> memref<128x128xf32, #tpu.memory_space<hbm>>
    %dma_start3A_285 = arith.constant 0 : i32
    %dma_start3A_286 = arith.constant 0 : i32
    %dma_start3A_287 = tpu.memref_slice %arg9[%dma_start3A_271, %dma_start3A_285, %dma_start3A_286] : memref<7x128x128xf32, #tpu.memory_space<vmem>> -> memref<1x128x128xf32, #tpu.memory_space<vmem>>
    %dma_start3A_288 = tpu.memref_squeeze %dma_start3A_287 : memref<1x128x128xf32, #tpu.memory_space<vmem>> -> memref<128x128xf32, #tpu.memory_space<vmem>>
    tpu.enqueue_dma source(%dma_start3A_288 : memref<128x128xf32, #tpu.memory_space<vmem>>) target(%dma_start3A_284 : memref<128x128xf32, #tpu.memory_space<hbm>>) target_semaphore(%arg12 : memref<!tpu.dma_semaphore, #tpu.memory_space<semaphore_mem>>)
    %dma_wait3A_289 = arith.constant 4 : i32
    %dma_wait3A_290 = arith.constant 4 : i32
    %dma_wait3A_291 = arith.constant 0 : i32
    %dma_wait3A_292 = arith.constant 0 : i32
    %dma_wait3A_293 = tpu.memref_slice %arg9[%dma_wait3A_290, %dma_wait3A_291, %dma_wait3A_292] : memref<7x128x128xf32, #tpu.memory_space<vmem>> -> memref<1x128x128xf32, #tpu.memory_space<vmem>>
    %dma_wait3A_294 = tpu.memref_squeeze %dma_wait3A_293 : memref<1x128x128xf32, #tpu.memory_space<vmem>> -> memref<128x128xf32, #tpu.memory_space<vmem>>
    %dma_wait3A_295 = arith.constant 0 : i32
    %dma_wait3A_296 = tpu.memref_slice %arg8[%dma_wait3A_289, %dma_wait3A_295] : memref<8x128xi32, #tpu.memory_space<vmem>> -> memref<1x128xi32, #tpu.memory_space<vmem>>
    %dma_wait3A_297 = tpu.memref_squeeze %dma_wait3A_296 : memref<1x128xi32, #tpu.memory_space<vmem>> -> memref<128xi32, #tpu.memory_space<vmem>>
    %dma_wait3A_298 = arith.constant 0 : i32
    %dma_wait3A_299 = arith.constant 0 : i32
    %dma_wait3A_300 = tpu.memref_slice %arg5[%dma_wait3A_298, %dma_wait3A_299] : memref<1000000x128xf32, #tpu.memory_space<hbm>> -> memref<1000000x128xf32, #tpu.memory_space<hbm>>
    tpu.wait_indirect_dma semaphore(%arg11 : memref<!tpu.dma_semaphore, #tpu.memory_space<semaphore_mem>>) src(%dma_wait3A_300 : memref<1000000x128xf32, #tpu.memory_space<hbm>>) dst(%dma_wait3A_294 : memref<128x128xf32, #tpu.memory_space<vmem>>)
    %dma_start3A_301 = arith.constant 4 : i32
    %dma_start3A_302 = arith.constant 0 : i32
    %dma_start3A_303 = arith.constant 0 : i32
    %dma_start3A_304 = arith.constant 0 : i32
    %dma_start3A_305 = tpu.memref_slice %arg9[%dma_start3A_301, %dma_start3A_303, %dma_start3A_304] : memref<7x128x128xf32, #tpu.memory_space<vmem>> -> memref<1x128x128xf32, #tpu.memory_space<vmem>>
    %dma_start3A_306 = tpu.memref_squeeze %dma_start3A_305 : memref<1x128x128xf32, #tpu.memory_space<vmem>> -> memref<128x128xf32, #tpu.memory_space<vmem>>
    %dma_start3A_307 = arith.constant 0 : i32
    %dma_start3A_308 = arith.constant 0 : i32
    %dma_start3A_309 = tpu.memref_slice %arg7[%add3A, %dma_start3A_302, %dma_start3A_307, %dma_start3A_308] : memref<32x4x128x128xf32, #tpu.memory_space<hbm>> -> memref<1x1x128x128xf32, #tpu.memory_space<hbm>>
    %dma_start3A_310 = tpu.memref_squeeze %dma_start3A_309 : memref<1x1x128x128xf32, #tpu.memory_space<hbm>> -> memref<128x128xf32, #tpu.memory_space<hbm>>
    %dma_start3A_311 = arith.constant 0 : i32
    %dma_start3A_312 = arith.constant 0 : i32
    %dma_start3A_313 = tpu.memref_slice %arg7[%add3A, %dma_start3A_302, %dma_start3A_311, %dma_start3A_312] : memref<32x4x128x128xf32, #tpu.memory_space<hbm>> -> memref<1x1x128x128xf32, #tpu.memory_space<hbm>>
    %dma_start3A_314 = tpu.memref_squeeze %dma_start3A_313 : memref<1x1x128x128xf32, #tpu.memory_space<hbm>> -> memref<128x128xf32, #tpu.memory_space<hbm>>
    %dma_start3A_315 = arith.constant 0 : i32
    %dma_start3A_316 = arith.constant 0 : i32
    %dma_start3A_317 = tpu.memref_slice %arg9[%dma_start3A_301, %dma_start3A_315, %dma_start3A_316] : memref<7x128x128xf32, #tpu.memory_space<vmem>> -> memref<1x128x128xf32, #tpu.memory_space<vmem>>
    %dma_start3A_318 = tpu.memref_squeeze %dma_start3A_317 : memref<1x128x128xf32, #tpu.memory_space<vmem>> -> memref<128x128xf32, #tpu.memory_space<vmem>>
    tpu.enqueue_dma source(%dma_start3A_318 : memref<128x128xf32, #tpu.memory_space<vmem>>) target(%dma_start3A_314 : memref<128x128xf32, #tpu.memory_space<hbm>>) target_semaphore(%arg12 : memref<!tpu.dma_semaphore, #tpu.memory_space<semaphore_mem>>)
    %dma_wait3A_319 = arith.constant 5 : i32
    %dma_wait3A_320 = arith.constant 5 : i32
    %dma_wait3A_321 = arith.constant 0 : i32
    %dma_wait3A_322 = arith.constant 0 : i32
    %dma_wait3A_323 = tpu.memref_slice %arg9[%dma_wait3A_320, %dma_wait3A_321, %dma_wait3A_322] : memref<7x128x128xf32, #tpu.memory_space<vmem>> -> memref<1x128x128xf32, #tpu.memory_space<vmem>>
    %dma_wait3A_324 = tpu.memref_squeeze %dma_wait3A_323 : memref<1x128x128xf32, #tpu.memory_space<vmem>> -> memref<128x128xf32, #tpu.memory_space<vmem>>
    %dma_wait3A_325 = arith.constant 0 : i32
    %dma_wait3A_326 = tpu.memref_slice %arg8[%dma_wait3A_319, %dma_wait3A_325] : memref<8x128xi32, #tpu.memory_space<vmem>> -> memref<1x128xi32, #tpu.memory_space<vmem>>
    %dma_wait3A_327 = tpu.memref_squeeze %dma_wait3A_326 : memref<1x128xi32, #tpu.memory_space<vmem>> -> memref<128xi32, #tpu.memory_space<vmem>>
    %dma_wait3A_328 = arith.constant 0 : i32
    %dma_wait3A_329 = arith.constant 0 : i32
    %dma_wait3A_330 = tpu.memref_slice %arg5[%dma_wait3A_328, %dma_wait3A_329] : memref<1000000x128xf32, #tpu.memory_space<hbm>> -> memref<1000000x128xf32, #tpu.memory_space<hbm>>
    tpu.wait_indirect_dma semaphore(%arg11 : memref<!tpu.dma_semaphore, #tpu.memory_space<semaphore_mem>>) src(%dma_wait3A_330 : memref<1000000x128xf32, #tpu.memory_space<hbm>>) dst(%dma_wait3A_324 : memref<128x128xf32, #tpu.memory_space<vmem>>)
    %dma_start3A_331 = arith.constant 5 : i32
    %dma_start3A_332 = arith.constant 1 : i32
    %dma_start3A_333 = arith.constant 0 : i32
    %dma_start3A_334 = arith.constant 0 : i32
    %dma_start3A_335 = tpu.memref_slice %arg9[%dma_start3A_331, %dma_start3A_333, %dma_start3A_334] : memref<7x128x128xf32, #tpu.memory_space<vmem>> -> memref<1x128x128xf32, #tpu.memory_space<vmem>>
    %dma_start3A_336 = tpu.memref_squeeze %dma_start3A_335 : memref<1x128x128xf32, #tpu.memory_space<vmem>> -> memref<128x128xf32, #tpu.memory_space<vmem>>
    %dma_start3A_337 = arith.constant 0 : i32
    %dma_start3A_338 = arith.constant 0 : i32
    %dma_start3A_339 = tpu.memref_slice %arg7[%add3A, %dma_start3A_332, %dma_start3A_337, %dma_start3A_338] : memref<32x4x128x128xf32, #tpu.memory_space<hbm>> -> memref<1x1x128x128xf32, #tpu.memory_space<hbm>>
    %dma_start3A_340 = tpu.memref_squeeze %dma_start3A_339 : memref<1x1x128x128xf32, #tpu.memory_space<hbm>> -> memref<128x128xf32, #tpu.memory_space<hbm>>
    %dma_start3A_341 = arith.constant 0 : i32
    %dma_start3A_342 = arith.constant 0 : i32
    %dma_start3A_343 = tpu.memref_slice %arg7[%add3A, %dma_start3A_332, %dma_start3A_341, %dma_start3A_342] : memref<32x4x128x128xf32, #tpu.memory_space<hbm>> -> memref<1x1x128x128xf32, #tpu.memory_space<hbm>>
    %dma_start3A_344 = tpu.memref_squeeze %dma_start3A_343 : memref<1x1x128x128xf32, #tpu.memory_space<hbm>> -> memref<128x128xf32, #tpu.memory_space<hbm>>
    %dma_start3A_345 = arith.constant 0 : i32
    %dma_start3A_346 = arith.constant 0 : i32
    %dma_start3A_347 = tpu.memref_slice %arg9[%dma_start3A_331, %dma_start3A_345, %dma_start3A_346] : memref<7x128x128xf32, #tpu.memory_space<vmem>> -> memref<1x128x128xf32, #tpu.memory_space<vmem>>
    %dma_start3A_348 = tpu.memref_squeeze %dma_start3A_347 : memref<1x128x128xf32, #tpu.memory_space<vmem>> -> memref<128x128xf32, #tpu.memory_space<vmem>>
    tpu.enqueue_dma source(%dma_start3A_348 : memref<128x128xf32, #tpu.memory_space<vmem>>) target(%dma_start3A_344 : memref<128x128xf32, #tpu.memory_space<hbm>>) target_semaphore(%arg12 : memref<!tpu.dma_semaphore, #tpu.memory_space<semaphore_mem>>)
    %dma_wait3A_349 = arith.constant 6 : i32
    %dma_wait3A_350 = arith.constant 6 : i32
    %dma_wait3A_351 = arith.constant 0 : i32
    %dma_wait3A_352 = arith.constant 0 : i32
    %dma_wait3A_353 = tpu.memref_slice %arg9[%dma_wait3A_350, %dma_wait3A_351, %dma_wait3A_352] : memref<7x128x128xf32, #tpu.memory_space<vmem>> -> memref<1x128x128xf32, #tpu.memory_space<vmem>>
    %dma_wait3A_354 = tpu.memref_squeeze %dma_wait3A_353 : memref<1x128x128xf32, #tpu.memory_space<vmem>> -> memref<128x128xf32, #tpu.memory_space<vmem>>
    %dma_wait3A_355 = arith.constant 0 : i32
    %dma_wait3A_356 = tpu.memref_slice %arg8[%dma_wait3A_349, %dma_wait3A_355] : memref<8x128xi32, #tpu.memory_space<vmem>> -> memref<1x128xi32, #tpu.memory_space<vmem>>
    %dma_wait3A_357 = tpu.memref_squeeze %dma_wait3A_356 : memref<1x128xi32, #tpu.memory_space<vmem>> -> memref<128xi32, #tpu.memory_space<vmem>>
    %dma_wait3A_358 = arith.constant 0 : i32
    %dma_wait3A_359 = arith.constant 0 : i32
    %dma_wait3A_360 = tpu.memref_slice %arg5[%dma_wait3A_358, %dma_wait3A_359] : memref<1000000x128xf32, #tpu.memory_space<hbm>> -> memref<1000000x128xf32, #tpu.memory_space<hbm>>
    tpu.wait_indirect_dma semaphore(%arg11 : memref<!tpu.dma_semaphore, #tpu.memory_space<semaphore_mem>>) src(%dma_wait3A_360 : memref<1000000x128xf32, #tpu.memory_space<hbm>>) dst(%dma_wait3A_354 : memref<128x128xf32, #tpu.memory_space<vmem>>)
    %dma_start3A_361 = arith.constant 6 : i32
    %dma_start3A_362 = arith.constant 2 : i32
    %dma_start3A_363 = arith.constant 0 : i32
    %dma_start3A_364 = arith.constant 0 : i32
    %dma_start3A_365 = tpu.memref_slice %arg9[%dma_start3A_361, %dma_start3A_363, %dma_start3A_364] : memref<7x128x128xf32, #tpu.memory_space<vmem>> -> memref<1x128x128xf32, #tpu.memory_space<vmem>>
    %dma_start3A_366 = tpu.memref_squeeze %dma_start3A_365 : memref<1x128x128xf32, #tpu.memory_space<vmem>> -> memref<128x128xf32, #tpu.memory_space<vmem>>
    %dma_start3A_367 = arith.constant 0 : i32
    %dma_start3A_368 = arith.constant 0 : i32
    %dma_start3A_369 = tpu.memref_slice %arg7[%add3A, %dma_start3A_362, %dma_start3A_367, %dma_start3A_368] : memref<32x4x128x128xf32, #tpu.memory_space<hbm>> -> memref<1x1x128x128xf32, #tpu.memory_space<hbm>>
    %dma_start3A_370 = tpu.memref_squeeze %dma_start3A_369 : memref<1x1x128x128xf32, #tpu.memory_space<hbm>> -> memref<128x128xf32, #tpu.memory_space<hbm>>
    %dma_start3A_371 = arith.constant 0 : i32
    %dma_start3A_372 = arith.constant 0 : i32
    %dma_start3A_373 = tpu.memref_slice %arg7[%add3A, %dma_start3A_362, %dma_start3A_371, %dma_start3A_372] : memref<32x4x128x128xf32, #tpu.memory_space<hbm>> -> memref<1x1x128x128xf32, #tpu.memory_space<hbm>>
    %dma_start3A_374 = tpu.memref_squeeze %dma_start3A_373 : memref<1x1x128x128xf32, #tpu.memory_space<hbm>> -> memref<128x128xf32, #tpu.memory_space<hbm>>
    %dma_start3A_375 = arith.constant 0 : i32
    %dma_start3A_376 = arith.constant 0 : i32
    %dma_start3A_377 = tpu.memref_slice %arg9[%dma_start3A_361, %dma_start3A_375, %dma_start3A_376] : memref<7x128x128xf32, #tpu.memory_space<vmem>> -> memref<1x128x128xf32, #tpu.memory_space<vmem>>
    %dma_start3A_378 = tpu.memref_squeeze %dma_start3A_377 : memref<1x128x128xf32, #tpu.memory_space<vmem>> -> memref<128x128xf32, #tpu.memory_space<vmem>>
    tpu.enqueue_dma source(%dma_start3A_378 : memref<128x128xf32, #tpu.memory_space<vmem>>) target(%dma_start3A_374 : memref<128x128xf32, #tpu.memory_space<hbm>>) target_semaphore(%arg12 : memref<!tpu.dma_semaphore, #tpu.memory_space<semaphore_mem>>)
    %dma_wait3A_379 = arith.constant 7 : i32
    %dma_wait3A_380 = arith.constant 0 : i32
    %dma_wait3A_381 = arith.constant 0 : i32
    %dma_wait3A_382 = arith.constant 0 : i32
    %dma_wait3A_383 = tpu.memref_slice %arg9[%dma_wait3A_380, %dma_wait3A_381, %dma_wait3A_382] : memref<7x128x128xf32, #tpu.memory_space<vmem>> -> memref<1x128x128xf32, #tpu.memory_space<vmem>>
    %dma_wait3A_384 = tpu.memref_squeeze %dma_wait3A_383 : memref<1x128x128xf32, #tpu.memory_space<vmem>> -> memref<128x128xf32, #tpu.memory_space<vmem>>
    %dma_wait3A_385 = arith.constant 0 : i32
    %dma_wait3A_386 = tpu.memref_slice %arg8[%dma_wait3A_379, %dma_wait3A_385] : memref<8x128xi32, #tpu.memory_space<vmem>> -> memref<1x128xi32, #tpu.memory_space<vmem>>
    %dma_wait3A_387 = tpu.memref_squeeze %dma_wait3A_386 : memref<1x128xi32, #tpu.memory_space<vmem>> -> memref<128xi32, #tpu.memory_space<vmem>>
    %dma_wait3A_388 = arith.constant 0 : i32
    %dma_wait3A_389 = arith.constant 0 : i32
    %dma_wait3A_390 = tpu.memref_slice %arg5[%dma_wait3A_388, %dma_wait3A_389] : memref<1000000x128xf32, #tpu.memory_space<hbm>> -> memref<1000000x128xf32, #tpu.memory_space<hbm>>
    tpu.wait_indirect_dma semaphore(%arg11 : memref<!tpu.dma_semaphore, #tpu.memory_space<semaphore_mem>>) src(%dma_wait3A_390 : memref<1000000x128xf32, #tpu.memory_space<hbm>>) dst(%dma_wait3A_384 : memref<128x128xf32, #tpu.memory_space<vmem>>)
    %dma_start3A_391 = arith.constant 0 : i32
    %dma_start3A_392 = arith.constant 3 : i32
    %dma_start3A_393 = arith.constant 0 : i32
    %dma_start3A_394 = arith.constant 0 : i32
    %dma_start3A_395 = tpu.memref_slice %arg9[%dma_start3A_391, %dma_start3A_393, %dma_start3A_394] : memref<7x128x128xf32, #tpu.memory_space<vmem>> -> memref<1x128x128xf32, #tpu.memory_space<vmem>>
    %dma_start3A_396 = tpu.memref_squeeze %dma_start3A_395 : memref<1x128x128xf32, #tpu.memory_space<vmem>> -> memref<128x128xf32, #tpu.memory_space<vmem>>
    %dma_start3A_397 = arith.constant 0 : i32
    %dma_start3A_398 = arith.constant 0 : i32
    %dma_start3A_399 = tpu.memref_slice %arg7[%add3A, %dma_start3A_392, %dma_start3A_397, %dma_start3A_398] : memref<32x4x128x128xf32, #tpu.memory_space<hbm>> -> memref<1x1x128x128xf32, #tpu.memory_space<hbm>>
    %dma_start3A_400 = tpu.memref_squeeze %dma_start3A_399 : memref<1x1x128x128xf32, #tpu.memory_space<hbm>> -> memref<128x128xf32, #tpu.memory_space<hbm>>
    %dma_start3A_401 = arith.constant 0 : i32
    %dma_start3A_402 = arith.constant 0 : i32
    %dma_start3A_403 = tpu.memref_slice %arg7[%add3A, %dma_start3A_392, %dma_start3A_401, %dma_start3A_402] : memref<32x4x128x128xf32, #tpu.memory_space<hbm>> -> memref<1x1x128x128xf32, #tpu.memory_space<hbm>>
    %dma_start3A_404 = tpu.memref_squeeze %dma_start3A_403 : memref<1x1x128x128xf32, #tpu.memory_space<hbm>> -> memref<128x128xf32, #tpu.memory_space<hbm>>
    %dma_start3A_405 = arith.constant 0 : i32
    %dma_start3A_406 = arith.constant 0 : i32
    %dma_start3A_407 = tpu.memref_slice %arg9[%dma_start3A_391, %dma_start3A_405, %dma_start3A_406] : memref<7x128x128xf32, #tpu.memory_space<vmem>> -> memref<1x128x128xf32, #tpu.memory_space<vmem>>
    %dma_start3A_408 = tpu.memref_squeeze %dma_start3A_407 : memref<1x128x128xf32, #tpu.memory_space<vmem>> -> memref<128x128xf32, #tpu.memory_space<vmem>>
    tpu.enqueue_dma source(%dma_start3A_408 : memref<128x128xf32, #tpu.memory_space<vmem>>) target(%dma_start3A_404 : memref<128x128xf32, #tpu.memory_space<hbm>>) target_semaphore(%arg12 : memref<!tpu.dma_semaphore, #tpu.memory_space<semaphore_mem>>)
    %dma_wait3A_409 = arith.constant 0 : i32
    %dma_wait3A_410 = arith.constant 3 : i32
    %dma_wait3A_411 = arith.constant 0 : i32
    %dma_wait3A_412 = arith.constant 0 : i32
    %dma_wait3A_413 = tpu.memref_slice %arg9[%dma_wait3A_409, %dma_wait3A_411, %dma_wait3A_412] : memref<7x128x128xf32, #tpu.memory_space<vmem>> -> memref<1x128x128xf32, #tpu.memory_space<vmem>>
    %dma_wait3A_414 = tpu.memref_squeeze %dma_wait3A_413 : memref<1x128x128xf32, #tpu.memory_space<vmem>> -> memref<128x128xf32, #tpu.memory_space<vmem>>
    %dma_wait3A_415 = arith.constant 0 : i32
    %dma_wait3A_416 = arith.constant 0 : i32
    %dma_wait3A_417 = tpu.memref_slice %arg7[%add3A, %dma_wait3A_410, %dma_wait3A_415, %dma_wait3A_416] : memref<32x4x128x128xf32, #tpu.memory_space<hbm>> -> memref<1x1x128x128xf32, #tpu.memory_space<hbm>>
    %dma_wait3A_418 = tpu.memref_squeeze %dma_wait3A_417 : memref<1x1x128x128xf32, #tpu.memory_space<hbm>> -> memref<128x128xf32, #tpu.memory_space<hbm>>
    %dma_wait3A_419 = arith.constant 0 : i32
    %dma_wait3A_420 = arith.constant 0 : i32
    %dma_wait3A_421 = tpu.memref_slice %arg7[%add3A, %dma_wait3A_410, %dma_wait3A_419, %dma_wait3A_420] : memref<32x4x128x128xf32, #tpu.memory_space<hbm>> -> memref<1x1x128x128xf32, #tpu.memory_space<hbm>>
    %dma_wait3A_422 = tpu.memref_squeeze %dma_wait3A_421 : memref<1x1x128x128xf32, #tpu.memory_space<hbm>> -> memref<128x128xf32, #tpu.memory_space<hbm>>
    %dma_wait3A_423 = arith.constant 0 : i32
    %dma_wait3A_424 = arith.constant 0 : i32
    %dma_wait3A_425 = tpu.memref_slice %arg9[%dma_wait3A_409, %dma_wait3A_423, %dma_wait3A_424] : memref<7x128x128xf32, #tpu.memory_space<vmem>> -> memref<1x128x128xf32, #tpu.memory_space<vmem>>
    %dma_wait3A_426 = tpu.memref_squeeze %dma_wait3A_425 : memref<1x128x128xf32, #tpu.memory_space<vmem>> -> memref<128x128xf32, #tpu.memory_space<vmem>>
    tpu.wait_dma2 semaphore(%arg12 : memref<!tpu.dma_semaphore, #tpu.memory_space<semaphore_mem>>) src(%dma_wait3A_426 : memref<128x128xf32, #tpu.memory_space<vmem>>) dst(%dma_wait3A_422 : memref<128x128xf32, #tpu.memory_space<hbm>>)
    %dma_wait3A_427 = arith.constant 1 : i32
    %dma_wait3A_428 = arith.constant 1 : i32
    %dma_wait3A_429 = arith.constant 0 : i32
    %dma_wait3A_430 = arith.constant 0 : i32
    %dma_wait3A_431 = tpu.memref_slice %arg9[%dma_wait3A_427, %dma_wait3A_429, %dma_wait3A_430] : memref<7x128x128xf32, #tpu.memory_space<vmem>> -> memref<1x128x128xf32, #tpu.memory_space<vmem>>
    %dma_wait3A_432 = tpu.memref_squeeze %dma_wait3A_431 : memref<1x128x128xf32, #tpu.memory_space<vmem>> -> memref<128x128xf32, #tpu.memory_space<vmem>>
    %dma_wait3A_433 = arith.constant 0 : i32
    %dma_wait3A_434 = arith.constant 0 : i32
    %dma_wait3A_435 = tpu.memref_slice %arg6[%add3A, %dma_wait3A_428, %dma_wait3A_433, %dma_wait3A_434] : memref<32x4x128x128xf32, #tpu.memory_space<hbm>> -> memref<1x1x128x128xf32, #tpu.memory_space<hbm>>
    %dma_wait3A_436 = tpu.memref_squeeze %dma_wait3A_435 : memref<1x1x128x128xf32, #tpu.memory_space<hbm>> -> memref<128x128xf32, #tpu.memory_space<hbm>>
    %dma_wait3A_437 = arith.constant 0 : i32
    %dma_wait3A_438 = arith.constant 0 : i32
    %dma_wait3A_439 = tpu.memref_slice %arg6[%add3A, %dma_wait3A_428, %dma_wait3A_437, %dma_wait3A_438] : memref<32x4x128x128xf32, #tpu.memory_space<hbm>> -> memref<1x1x128x128xf32, #tpu.memory_space<hbm>>
    %dma_wait3A_440 = tpu.memref_squeeze %dma_wait3A_439 : memref<1x1x128x128xf32, #tpu.memory_space<hbm>> -> memref<128x128xf32, #tpu.memory_space<hbm>>
    %dma_wait3A_441 = arith.constant 0 : i32
    %dma_wait3A_442 = arith.constant 0 : i32
    %dma_wait3A_443 = tpu.memref_slice %arg9[%dma_wait3A_427, %dma_wait3A_441, %dma_wait3A_442] : memref<7x128x128xf32, #tpu.memory_space<vmem>> -> memref<1x128x128xf32, #tpu.memory_space<vmem>>
    %dma_wait3A_444 = tpu.memref_squeeze %dma_wait3A_443 : memref<1x128x128xf32, #tpu.memory_space<vmem>> -> memref<128x128xf32, #tpu.memory_space<vmem>>
    tpu.wait_dma2 semaphore(%arg12 : memref<!tpu.dma_semaphore, #tpu.memory_space<semaphore_mem>>) src(%dma_wait3A_444 : memref<128x128xf32, #tpu.memory_space<vmem>>) dst(%dma_wait3A_440 : memref<128x128xf32, #tpu.memory_space<hbm>>)
    %dma_wait3A_445 = arith.constant 2 : i32
    %dma_wait3A_446 = arith.constant 2 : i32
    %dma_wait3A_447 = arith.constant 0 : i32
    %dma_wait3A_448 = arith.constant 0 : i32
    %dma_wait3A_449 = tpu.memref_slice %arg9[%dma_wait3A_445, %dma_wait3A_447, %dma_wait3A_448] : memref<7x128x128xf32, #tpu.memory_space<vmem>> -> memref<1x128x128xf32, #tpu.memory_space<vmem>>
    %dma_wait3A_450 = tpu.memref_squeeze %dma_wait3A_449 : memref<1x128x128xf32, #tpu.memory_space<vmem>> -> memref<128x128xf32, #tpu.memory_space<vmem>>
    %dma_wait3A_451 = arith.constant 0 : i32
    %dma_wait3A_452 = arith.constant 0 : i32
    %dma_wait3A_453 = tpu.memref_slice %arg6[%add3A, %dma_wait3A_446, %dma_wait3A_451, %dma_wait3A_452] : memref<32x4x128x128xf32, #tpu.memory_space<hbm>> -> memref<1x1x128x128xf32, #tpu.memory_space<hbm>>
    %dma_wait3A_454 = tpu.memref_squeeze %dma_wait3A_453 : memref<1x1x128x128xf32, #tpu.memory_space<hbm>> -> memref<128x128xf32, #tpu.memory_space<hbm>>
    %dma_wait3A_455 = arith.constant 0 : i32
    %dma_wait3A_456 = arith.constant 0 : i32
    %dma_wait3A_457 = tpu.memref_slice %arg6[%add3A, %dma_wait3A_446, %dma_wait3A_455, %dma_wait3A_456] : memref<32x4x128x128xf32, #tpu.memory_space<hbm>> -> memref<1x1x128x128xf32, #tpu.memory_space<hbm>>
    %dma_wait3A_458 = tpu.memref_squeeze %dma_wait3A_457 : memref<1x1x128x128xf32, #tpu.memory_space<hbm>> -> memref<128x128xf32, #tpu.memory_space<hbm>>
    %dma_wait3A_459 = arith.constant 0 : i32
    %dma_wait3A_460 = arith.constant 0 : i32
    %dma_wait3A_461 = tpu.memref_slice %arg9[%dma_wait3A_445, %dma_wait3A_459, %dma_wait3A_460] : memref<7x128x128xf32, #tpu.memory_space<vmem>> -> memref<1x128x128xf32, #tpu.memory_space<vmem>>
    %dma_wait3A_462 = tpu.memref_squeeze %dma_wait3A_461 : memref<1x128x128xf32, #tpu.memory_space<vmem>> -> memref<128x128xf32, #tpu.memory_space<vmem>>
    tpu.wait_dma2 semaphore(%arg12 : memref<!tpu.dma_semaphore, #tpu.memory_space<semaphore_mem>>) src(%dma_wait3A_462 : memref<128x128xf32, #tpu.memory_space<vmem>>) dst(%dma_wait3A_458 : memref<128x128xf32, #tpu.memory_space<hbm>>)
    %dma_wait3A_463 = arith.constant 3 : i32
    %dma_wait3A_464 = arith.constant 3 : i32
    %dma_wait3A_465 = arith.constant 0 : i32
    %dma_wait3A_466 = arith.constant 0 : i32
    %dma_wait3A_467 = tpu.memref_slice %arg9[%dma_wait3A_463, %dma_wait3A_465, %dma_wait3A_466] : memref<7x128x128xf32, #tpu.memory_space<vmem>> -> memref<1x128x128xf32, #tpu.memory_space<vmem>>
    %dma_wait3A_468 = tpu.memref_squeeze %dma_wait3A_467 : memref<1x128x128xf32, #tpu.memory_space<vmem>> -> memref<128x128xf32, #tpu.memory_space<vmem>>
    %dma_wait3A_469 = arith.constant 0 : i32
    %dma_wait3A_470 = arith.constant 0 : i32
    %dma_wait3A_471 = tpu.memref_slice %arg6[%add3A, %dma_wait3A_464, %dma_wait3A_469, %dma_wait3A_470] : memref<32x4x128x128xf32, #tpu.memory_space<hbm>> -> memref<1x1x128x128xf32, #tpu.memory_space<hbm>>
    %dma_wait3A_472 = tpu.memref_squeeze %dma_wait3A_471 : memref<1x1x128x128xf32, #tpu.memory_space<hbm>> -> memref<128x128xf32, #tpu.memory_space<hbm>>
    %dma_wait3A_473 = arith.constant 0 : i32
    %dma_wait3A_474 = arith.constant 0 : i32
    %dma_wait3A_475 = tpu.memref_slice %arg6[%add3A, %dma_wait3A_464, %dma_wait3A_473, %dma_wait3A_474] : memref<32x4x128x128xf32, #tpu.memory_space<hbm>> -> memref<1x1x128x128xf32, #tpu.memory_space<hbm>>
    %dma_wait3A_476 = tpu.memref_squeeze %dma_wait3A_475 : memref<1x1x128x128xf32, #tpu.memory_space<hbm>> -> memref<128x128xf32, #tpu.memory_space<hbm>>
    %dma_wait3A_477 = arith.constant 0 : i32
    %dma_wait3A_478 = arith.constant 0 : i32
    %dma_wait3A_479 = tpu.memref_slice %arg9[%dma_wait3A_463, %dma_wait3A_477, %dma_wait3A_478] : memref<7x128x128xf32, #tpu.memory_space<vmem>> -> memref<1x128x128xf32, #tpu.memory_space<vmem>>
    %dma_wait3A_480 = tpu.memref_squeeze %dma_wait3A_479 : memref<1x128x128xf32, #tpu.memory_space<vmem>> -> memref<128x128xf32, #tpu.memory_space<vmem>>
    tpu.wait_dma2 semaphore(%arg12 : memref<!tpu.dma_semaphore, #tpu.memory_space<semaphore_mem>>) src(%dma_wait3A_480 : memref<128x128xf32, #tpu.memory_space<vmem>>) dst(%dma_wait3A_476 : memref<128x128xf32, #tpu.memory_space<hbm>>)
    %dma_wait3A_481 = arith.constant 4 : i32
    %dma_wait3A_482 = arith.constant 0 : i32
    %dma_wait3A_483 = arith.constant 0 : i32
    %dma_wait3A_484 = arith.constant 0 : i32
    %dma_wait3A_485 = tpu.memref_slice %arg9[%dma_wait3A_481, %dma_wait3A_483, %dma_wait3A_484] : memref<7x128x128xf32, #tpu.memory_space<vmem>> -> memref<1x128x128xf32, #tpu.memory_space<vmem>>
    %dma_wait3A_486 = tpu.memref_squeeze %dma_wait3A_485 : memref<1x128x128xf32, #tpu.memory_space<vmem>> -> memref<128x128xf32, #tpu.memory_space<vmem>>
    %dma_wait3A_487 = arith.constant 0 : i32
    %dma_wait3A_488 = arith.constant 0 : i32
    %dma_wait3A_489 = tpu.memref_slice %arg7[%add3A, %dma_wait3A_482, %dma_wait3A_487, %dma_wait3A_488] : memref<32x4x128x128xf32, #tpu.memory_space<hbm>> -> memref<1x1x128x128xf32, #tpu.memory_space<hbm>>
    %dma_wait3A_490 = tpu.memref_squeeze %dma_wait3A_489 : memref<1x1x128x128xf32, #tpu.memory_space<hbm>> -> memref<128x128xf32, #tpu.memory_space<hbm>>
    %dma_wait3A_491 = arith.constant 0 : i32
    %dma_wait3A_492 = arith.constant 0 : i32
    %dma_wait3A_493 = tpu.memref_slice %arg7[%add3A, %dma_wait3A_482, %dma_wait3A_491, %dma_wait3A_492] : memref<32x4x128x128xf32, #tpu.memory_space<hbm>> -> memref<1x1x128x128xf32, #tpu.memory_space<hbm>>
    %dma_wait3A_494 = tpu.memref_squeeze %dma_wait3A_493 : memref<1x1x128x128xf32, #tpu.memory_space<hbm>> -> memref<128x128xf32, #tpu.memory_space<hbm>>
    %dma_wait3A_495 = arith.constant 0 : i32
    %dma_wait3A_496 = arith.constant 0 : i32
    %dma_wait3A_497 = tpu.memref_slice %arg9[%dma_wait3A_481, %dma_wait3A_495, %dma_wait3A_496] : memref<7x128x128xf32, #tpu.memory_space<vmem>> -> memref<1x128x128xf32, #tpu.memory_space<vmem>>
    %dma_wait3A_498 = tpu.memref_squeeze %dma_wait3A_497 : memref<1x128x128xf32, #tpu.memory_space<vmem>> -> memref<128x128xf32, #tpu.memory_space<vmem>>
    tpu.wait_dma2 semaphore(%arg12 : memref<!tpu.dma_semaphore, #tpu.memory_space<semaphore_mem>>) src(%dma_wait3A_498 : memref<128x128xf32, #tpu.memory_space<vmem>>) dst(%dma_wait3A_494 : memref<128x128xf32, #tpu.memory_space<hbm>>)
    %dma_wait3A_499 = arith.constant 5 : i32
    %dma_wait3A_500 = arith.constant 1 : i32
    %dma_wait3A_501 = arith.constant 0 : i32
    %dma_wait3A_502 = arith.constant 0 : i32
    %dma_wait3A_503 = tpu.memref_slice %arg9[%dma_wait3A_499, %dma_wait3A_501, %dma_wait3A_502] : memref<7x128x128xf32, #tpu.memory_space<vmem>> -> memref<1x128x128xf32, #tpu.memory_space<vmem>>
    %dma_wait3A_504 = tpu.memref_squeeze %dma_wait3A_503 : memref<1x128x128xf32, #tpu.memory_space<vmem>> -> memref<128x128xf32, #tpu.memory_space<vmem>>
    %dma_wait3A_505 = arith.constant 0 : i32
    %dma_wait3A_506 = arith.constant 0 : i32
    %dma_wait3A_507 = tpu.memref_slice %arg7[%add3A, %dma_wait3A_500, %dma_wait3A_505, %dma_wait3A_506] : memref<32x4x128x128xf32, #tpu.memory_space<hbm>> -> memref<1x1x128x128xf32, #tpu.memory_space<hbm>>
    %dma_wait3A_508 = tpu.memref_squeeze %dma_wait3A_507 : memref<1x1x128x128xf32, #tpu.memory_space<hbm>> -> memref<128x128xf32, #tpu.memory_space<hbm>>
    %dma_wait3A_509 = arith.constant 0 : i32
    %dma_wait3A_510 = arith.constant 0 : i32
    %dma_wait3A_511 = tpu.memref_slice %arg7[%add3A, %dma_wait3A_500, %dma_wait3A_509, %dma_wait3A_510] : memref<32x4x128x128xf32, #tpu.memory_space<hbm>> -> memref<1x1x128x128xf32, #tpu.memory_space<hbm>>
    %dma_wait3A_512 = tpu.memref_squeeze %dma_wait3A_511 : memref<1x1x128x128xf32, #tpu.memory_space<hbm>> -> memref<128x128xf32, #tpu.memory_space<hbm>>
    %dma_wait3A_513 = arith.constant 0 : i32
    %dma_wait3A_514 = arith.constant 0 : i32
    %dma_wait3A_515 = tpu.memref_slice %arg9[%dma_wait3A_499, %dma_wait3A_513, %dma_wait3A_514] : memref<7x128x128xf32, #tpu.memory_space<vmem>> -> memref<1x128x128xf32, #tpu.memory_space<vmem>>
    %dma_wait3A_516 = tpu.memref_squeeze %dma_wait3A_515 : memref<1x128x128xf32, #tpu.memory_space<vmem>> -> memref<128x128xf32, #tpu.memory_space<vmem>>
    tpu.wait_dma2 semaphore(%arg12 : memref<!tpu.dma_semaphore, #tpu.memory_space<semaphore_mem>>) src(%dma_wait3A_516 : memref<128x128xf32, #tpu.memory_space<vmem>>) dst(%dma_wait3A_512 : memref<128x128xf32, #tpu.memory_space<hbm>>)
    %dma_wait3A_517 = arith.constant 6 : i32
    %dma_wait3A_518 = arith.constant 2 : i32
    %dma_wait3A_519 = arith.constant 0 : i32
    %dma_wait3A_520 = arith.constant 0 : i32
    %dma_wait3A_521 = tpu.memref_slice %arg9[%dma_wait3A_517, %dma_wait3A_519, %dma_wait3A_520] : memref<7x128x128xf32, #tpu.memory_space<vmem>> -> memref<1x128x128xf32, #tpu.memory_space<vmem>>
    %dma_wait3A_522 = tpu.memref_squeeze %dma_wait3A_521 : memref<1x128x128xf32, #tpu.memory_space<vmem>> -> memref<128x128xf32, #tpu.memory_space<vmem>>
    %dma_wait3A_523 = arith.constant 0 : i32
    %dma_wait3A_524 = arith.constant 0 : i32
    %dma_wait3A_525 = tpu.memref_slice %arg7[%add3A, %dma_wait3A_518, %dma_wait3A_523, %dma_wait3A_524] : memref<32x4x128x128xf32, #tpu.memory_space<hbm>> -> memref<1x1x128x128xf32, #tpu.memory_space<hbm>>
    %dma_wait3A_526 = tpu.memref_squeeze %dma_wait3A_525 : memref<1x1x128x128xf32, #tpu.memory_space<hbm>> -> memref<128x128xf32, #tpu.memory_space<hbm>>
    %dma_wait3A_527 = arith.constant 0 : i32
    %dma_wait3A_528 = arith.constant 0 : i32
    %dma_wait3A_529 = tpu.memref_slice %arg7[%add3A, %dma_wait3A_518, %dma_wait3A_527, %dma_wait3A_528] : memref<32x4x128x128xf32, #tpu.memory_space<hbm>> -> memref<1x1x128x128xf32, #tpu.memory_space<hbm>>
    %dma_wait3A_530 = tpu.memref_squeeze %dma_wait3A_529 : memref<1x1x128x128xf32, #tpu.memory_space<hbm>> -> memref<128x128xf32, #tpu.memory_space<hbm>>
    %dma_wait3A_531 = arith.constant 0 : i32
    %dma_wait3A_532 = arith.constant 0 : i32
    %dma_wait3A_533 = tpu.memref_slice %arg9[%dma_wait3A_517, %dma_wait3A_531, %dma_wait3A_532] : memref<7x128x128xf32, #tpu.memory_space<vmem>> -> memref<1x128x128xf32, #tpu.memory_space<vmem>>
    %dma_wait3A_534 = tpu.memref_squeeze %dma_wait3A_533 : memref<1x128x128xf32, #tpu.memory_space<vmem>> -> memref<128x128xf32, #tpu.memory_space<vmem>>
    tpu.wait_dma2 semaphore(%arg12 : memref<!tpu.dma_semaphore, #tpu.memory_space<semaphore_mem>>) src(%dma_wait3A_534 : memref<128x128xf32, #tpu.memory_space<vmem>>) dst(%dma_wait3A_530 : memref<128x128xf32, #tpu.memory_space<hbm>>)
    return
  }
}

module attributes {stable_mosaic.version = 14 : i64} {
  func.func @_dense_body(%arg0: i32, %arg1: memref<8192x128xf32, #tpu.memory_space<vmem>>, %arg2: memref<8192x128xf32, #tpu.memory_space<vmem>>, %arg3: memref<128x256xf32, #tpu.memory_space<vmem>>, %arg4: memref<128x1xf32, #tpu.memory_space<vmem>>, %arg5: memref<256x1xf32, #tpu.memory_space<vmem>>, %arg6: memref<1x1xf32, #tpu.memory_space<vmem>>, %arg7: memref<1x8192xf32, #tpu.memory_space<vmem>>) attributes {dimension_semantics = [#tpu.dimension_semantics<arbitrary>], iteration_bounds = array<i64: 2>, scalar_prefetch = 0 : i64, scratch_operands = 0 : i64, tpu.core_type = #tpu.core_type<tc>, window_params = [{transform_indices = @transform_0, window_bounds = array<i64: 8192, 128>}, {transform_indices = @transform_1, window_bounds = array<i64: 8192, 128>}, {pipeline_mode = #tpu.pipeline_mode<synchronous>, transform_indices = @transform_2, window_bounds = array<i64: 128, 256>}, {pipeline_mode = #tpu.pipeline_mode<synchronous>, transform_indices = @transform_3, window_bounds = array<i64: 128, 1>}, {pipeline_mode = #tpu.pipeline_mode<synchronous>, transform_indices = @transform_4, window_bounds = array<i64: 256, 1>}, {pipeline_mode = #tpu.pipeline_mode<synchronous>, transform_indices = @transform_5, window_bounds = array<i64: 1, 1>}, {transform_indices = @transform_6, window_bounds = array<i64: 1, 8192>}]} {
    %get3A = arith.constant 0 : index
    %get3A_0 = arith.constant 0 : index
    %get3A_1 = vector.load %arg1[%get3A, %get3A_0] : memref<8192x128xf32, #tpu.memory_space<vmem>>, vector<8192x128xf32>
    %transpose3A = tpu.transpose %get3A_1, [1, 0] : vector<8192x128xf32> -> vector<128x8192xf32>
    %get3A_2 = arith.constant 0 : index
    %get3A_3 = arith.constant 0 : index
    %get3A_4 = vector.load %arg2[%get3A_2, %get3A_3] : memref<8192x128xf32, #tpu.memory_space<vmem>>, vector<8192x128xf32>
    %transpose3A_5 = tpu.transpose %get3A_4, [1, 0] : vector<8192x128xf32> -> vector<128x8192xf32>
    %get3A_6 = arith.constant 0 : index
    %get3A_7 = arith.constant 0 : index
    %get3A_8 = vector.load %arg3[%get3A_6, %get3A_7] : memref<128x256xf32, #tpu.memory_space<vmem>>, vector<128x128xf32>
    %dot_general3A = arith.constant dense<0.000000e+00> : vector<128x8192xf32>
    %dot_general3A_9 = tpu.matmul %get3A_8, %transpose3A, %dot_general3A {dimension_numbers = #tpu.dot_dimension_numbers<[1], [0], [0], [1], [0, 0, 1, 1], [], []>, transpose_lhs_hint = false} : vector<128x128xf32>, vector<128x8192xf32>, vector<128x8192xf32> -> vector<128x8192xf32>
    %get3A_10 = arith.constant 0 : index
    %get3A_11 = arith.constant 128 : index
    %get3A_12 = vector.load %arg3[%get3A_10, %get3A_11] : memref<128x256xf32, #tpu.memory_space<vmem>>, vector<128x128xf32>
    %dot_general3A_13 = arith.constant dense<0.000000e+00> : vector<128x8192xf32>
    %dot_general3A_14 = tpu.matmul %get3A_12, %transpose3A_5, %dot_general3A_13 {dimension_numbers = #tpu.dot_dimension_numbers<[1], [0], [0], [1], [0, 0, 1, 1], [], []>, transpose_lhs_hint = false} : vector<128x128xf32>, vector<128x8192xf32>, vector<128x8192xf32> -> vector<128x8192xf32>
    %add3A = arith.addf %dot_general3A_9, %dot_general3A_14 : vector<128x8192xf32>
    %get3A_15 = arith.constant 0 : index
    %get3A_16 = arith.constant 0 : index
    %get3A_17 = vector.load %arg4[%get3A_15, %get3A_16] : memref<128x1xf32, #tpu.memory_space<vmem>>, vector<128x1xf32>
    %add3A_18 = vector.broadcast %get3A_17 : vector<128x1xf32> to vector<128x8192xf32>
    %add3A_19 = arith.addf %add3A, %add3A_18 : vector<128x8192xf32>
    %max3A = arith.constant 0.000000e+00 : f32
    %max3A_20 = vector.broadcast %max3A : f32 to vector<128x8192xf32>
    %max3A_21 = arith.maximumf %add3A_19, %max3A_20 : vector<128x8192xf32>
    %mul3A = arith.mulf %transpose3A, %transpose3A_5 : vector<128x8192xf32>
    %get3A_22 = arith.constant 0 : index
    %get3A_23 = arith.constant 0 : index
    %get3A_24 = vector.load %arg5[%get3A_22, %get3A_23] : memref<256x1xf32, #tpu.memory_space<vmem>>, vector<128x1xf32>
    %mul3A_25 = vector.broadcast %get3A_24 : vector<128x1xf32> to vector<128x8192xf32>
    %mul3A_26 = arith.mulf %mul3A, %mul3A_25 : vector<128x8192xf32>
    %reduce_sum3A = arith.constant dense<0.000000e+00> : vector<8192xf32>
    %reduce_sum3A_27 = vector.multi_reduction <add>, %mul3A_26, %reduce_sum3A [0] : vector<128x8192xf32> to vector<8192xf32>
    %broadcast_in_dim3A = vector.shape_cast %reduce_sum3A_27 : vector<8192xf32> to vector<1x8192xf32>
    %get3A_28 = arith.constant 128 : index
    %get3A_29 = arith.constant 0 : index
    %get3A_30 = vector.load %arg5[%get3A_28, %get3A_29] : memref<256x1xf32, #tpu.memory_space<vmem>>, vector<128x1xf32>
    %mul3A_31 = vector.broadcast %get3A_30 : vector<128x1xf32> to vector<128x8192xf32>
    %mul3A_32 = arith.mulf %max3A_21, %mul3A_31 : vector<128x8192xf32>
    %reduce_sum3A_33 = arith.constant dense<0.000000e+00> : vector<8192xf32>
    %reduce_sum3A_34 = vector.multi_reduction <add>, %mul3A_32, %reduce_sum3A_33 [0] : vector<128x8192xf32> to vector<8192xf32>
    %broadcast_in_dim3A_35 = vector.shape_cast %reduce_sum3A_34 : vector<8192xf32> to vector<1x8192xf32>
    %add3A_36 = arith.addf %broadcast_in_dim3A, %broadcast_in_dim3A_35 : vector<1x8192xf32>
    %get3A_37 = arith.constant 0 : index
    %get3A_38 = arith.constant 0 : index
    %get3A_39 = vector.load %arg6[%get3A_37, %get3A_38] : memref<1x1xf32, #tpu.memory_space<vmem>>, vector<1x1xf32>
    %get3A_40 = vector.extract %get3A_39[0, 0] : f32 from vector<1x1xf32>
    %add3A_41 = vector.broadcast %get3A_40 : f32 to vector<1x8192xf32>
    %add3A_42 = arith.addf %add3A_36, %add3A_41 : vector<1x8192xf32>
    %neg3A = arith.constant 0.000000e+00 : f32
    %neg3A_43 = vector.broadcast %neg3A : f32 to vector<1x8192xf32>
    %neg3A_44 = arith.subf %neg3A_43, %add3A_42 : vector<1x8192xf32>
    %exp3A = math.exp %neg3A_44 : vector<1x8192xf32>
    %add3A_45 = arith.constant 1.000000e+00 : f32
    %add3A_46 = vector.broadcast %add3A_45 : f32 to vector<1x8192xf32>
    %add3A_47 = arith.addf %add3A_46, %exp3A : vector<1x8192xf32>
    %div3A = arith.constant 1.000000e+00 : f32
    %div3A_48 = vector.broadcast %div3A : f32 to vector<1x8192xf32>
    %div3A_49 = arith.divf %div3A_48, %add3A_47 : vector<1x8192xf32>
    %swap3A = arith.constant 0 : index
    %swap3A_50 = arith.constant 0 : index
    %swap3A_51 = vector.load %arg7[%swap3A, %swap3A_50] : memref<1x8192xf32, #tpu.memory_space<vmem>>, vector<1x8192xf32>
    tpu.vector_store %arg7[%swap3A, %swap3A_50], %div3A_49 {strides = array<i32>} : memref<1x8192xf32, #tpu.memory_space<vmem>>, vector<1x8192xf32>,
    return
  }
  func.func @transform_0(%arg0: i32) -> (i32, i32) {
    %c0_i32 = arith.constant 0 : i32
    %c0_i32_0 = arith.constant 0 : i32
    return %arg0, %c0_i32 : i32, i32
  }
  func.func @transform_1(%arg0: i32) -> (i32, i32) {
    %c0_i32 = arith.constant 0 : i32
    %c0_i32_0 = arith.constant 0 : i32
    return %arg0, %c0_i32 : i32, i32
  }
  func.func @transform_2(%arg0: i32) -> (i32, i32) {
    %c0_i32 = arith.constant 0 : i32
    %c0_i32_0 = arith.constant 0 : i32
    %c0_i32_1 = arith.constant 0 : i32
    return %c0_i32, %c0_i32_0 : i32, i32
  }
  func.func @transform_3(%arg0: i32) -> (i32, i32) {
    %c0_i32 = arith.constant 0 : i32
    %c0_i32_0 = arith.constant 0 : i32
    %c0_i32_1 = arith.constant 0 : i32
    return %c0_i32, %c0_i32_0 : i32, i32
  }
  func.func @transform_4(%arg0: i32) -> (i32, i32) {
    %c0_i32 = arith.constant 0 : i32
    %c0_i32_0 = arith.constant 0 : i32
    %c0_i32_1 = arith.constant 0 : i32
    return %c0_i32, %c0_i32_0 : i32, i32
  }
  func.func @transform_5(%arg0: i32) -> (i32, i32) {
    %c0_i32 = arith.constant 0 : i32
    %c0_i32_0 = arith.constant 0 : i32
    %c0_i32_1 = arith.constant 0 : i32
    return %c0_i32, %c0_i32_0 : i32, i32
  }
  func.func @transform_6(%arg0: i32) -> (i32, i32) {
    %c0_i32 = arith.constant 0 : i32
    %c0_i32_0 = arith.constant 0 : i32
    return %c0_i32, %arg0 : i32, i32
  }
}

</mosaic_0001>

<sc_bundles>
// kernel: kernel.4.cloned.1.call-start
scs
__scs_entry_jumppad:
0x0: {  	(pc) =	sbr.rel $0x88, $3  }
0x1: {  	(tag) =	ssettag $0x0;
	lr =	simm.s32 $0x1  }
0x2: {  	[smem:$0x3F99] =	sst lr;
	_ =	strace $0xD0000000  }
0x3: {  	_ = 	snop  }
0x4: {  	_ = 	snop  }
0x5: {  	_ = 	snop  }
0x6: {  	_ = 	snop  }
0x7: {  	_ = 	snop  }
__scs_overlays_trampoline_lowered:
0x8: {  	[smem:$0x3FA8] =	sst s0  }
0x9: {  	[smem:$0x3FA9] =	sst s1  }
0xa: {  	[smem:$0x3FAA] =	sst s2  }
0xb: {  	[smem:$0x3FAB] =	sst s3  }
0xc: {  	[smem:$0x3FAC] =	sst s4  }
0xd: {  	[smem:$0x3FAD] =	sst s5  }
0xe: {  	[smem:$0x3FAE] =	sst s6  }
0xf: {  	[smem:$0x3FAF] =	sst s7  }
0x10: {  	[smem:$0x3FB0] =	sst s8  }
0x11: {  	[smem:$0x3FB1] =	sst s9;
	s0 =	simm.s32 @!p0 $0x0  }
0x12: {  	s1 =	sld [smem:$0x3F97];
	s0 =	simm.s32 @p0 $0x1  }
0x13: {  	[smem:$0x3FB2] =	sst s0;
	s0 =	simm.s32 @!p1 $0x0  }
0x14: {  	s2 =	sld [smem:$0x3F96];
	s0 =	simm.s32 @p1 $0x1  }
0x15: {  	[smem:$0x3FB3] =	sst s0;
	s0 =	simm.s32 @!p2 $0x0  }
0x16: {  	s3 =	sld [smem:$0x3FDB];
	s0 =	simm.s32 @p2 $0x1  }
0x17: {  	s4 =	simm.s32 $0x1BF5;
	[smem:$0x3FB5] =	sst s0  }
0x18: {  	s0 =	sld [smem:$0x3F98];
	_ =	swait.ge [sflag:s4], $0x0  }
0x19: {  	s7 =	sld [smem:$0x3F99]  }
0x1a: {  	s8 =	sadd.s32 $0xFFFFE003, lr  }
0x1b: {  	s9 =	sadd.s32 $0xFFFFFEF7, lr;
	s5 =	simm.s32 $0xFFFFFFFF;
	p2 =	slt.u32 s8, $0xFFFFF086  }
0x1c: {  	p1 =	slt.u32 s9, $0xF7A;
	s5 =	simm.s32 @!p2 $0x0  }
0x1d: {  	s5 =	simm.s32 @p1 $0x1;
	p0 =	seq.s32 s7, s2  }
0x1e: {  	s7 =	smul.u32 @!p0 $0xF7A, s2;
	p2 =	seq.s32 @!p0 s5, $0x0  }
0x1f: {  	s9 =	smul.u32 $0xF7A, s1;
	s8 =	simm.s32 @!p0 $0x1BF5;
	p2 =	por !p2, p0  }
0x20: {  	[sflag:s8] =	ssyncset.s32 @!p0 $0xFFFFF086;
	s6 =	sadd.s32 @!p0 s3, s7;
	s7 =	simm.s32 @!p0 $0x108  }
0x21: {  	s3 =	sadd.s32 s3, s9;
	s6 =	sadd.s32 @!p0 $0x88, s6;
	s7 =	simm.s32 @p2 $0x1082  }
0x22: {  	[simem:s7], [sflag:s8] =	dma.local @!p0 [hbm:s6], $0xF7A  }
0x23: {  	s9 =	sor.u32 $0xD0000000, s2;
	s6 =	simm.s32 $0x108;
	_ =	swait.ge @!p0 [sflag:s8], $0x0  }
0x24: {  	s3 =	sadd.s32 $0x88, s3;
	s6 =	simm.s32 @!p1 $0x1082;
	[sflag:s4] =	ssyncset.s32 $0xFFFFF086  }
0x25: {  	[simem:s6], [sflag:s4] =	dma.local [hbm:s3], $0xF7A  }
0x26: {  	[smem:$0x3F99] =	sst s1;
	(tag) =	ssettag s2;
	_ =	strace s9  }
0x27: {  	s1 =	sld [smem:$0x3FA9]  }
0x28: {  	s2 =	sld [smem:$0x3FAA]  }
0x29: {  	s4 =	sld [smem:$0x3FAC]  }
0x2a: {  	p0 =	seq.s32 s5, $0x0;
	s5 =	sld [smem:$0x3FAD]  }
0x2b: {  	s6 =	sld [smem:$0x3FAE]  }
0x2c: {  	s7 =	sld [smem:$0x3FAF]  }
0x2d: {  	s3 =	simm.s32 $0x108;
	s8 =	sld [smem:$0x3FB0]  }
0x2e: {  	s3 =	simm.s32 @!p0 $0x1082;
	s9 =	sld [smem:$0x3FB1]  }
0x2f: {  	lr =	sadd.s32 s0, s3;
	s0 =	sld [smem:$0x3FA8]  }
0x30: {  	s3 =	sld [smem:$0x3FAB]  }
0x31: {  	[smem:$0x3FB4] =	sst s10  }
0x32: {  	s10 =	sld [smem:$0x3FB2];
	_ =	sdelay $0x3  }
0x33: {  	p0 =	seq.s32 s10, $0x1;
	s10 =	sld [smem:$0x3FB4];
	_ =	sdelay $0x3  }
0x34: {  	[smem:$0x3FB4] =	sst s10  }
0x35: {  	s10 =	sld [smem:$0x3FB3];
	_ =	sdelay $0x3  }
0x36: {  	p1 =	seq.s32 s10, $0x1;
	s10 =	sld [smem:$0x3FB4];
	_ =	sdelay $0x3  }
0x37: {  	[smem:$0x3FB4] =	sst s10  }
0x38: {  	s10 =	sld [smem:$0x3FB5]  }
0x39: {  	_ = 	snop;
	(pc) =	sbr.ind lr, $3  }
0x3a: {  	_ = 	snop  }
0x3b: {  	_ = 	snop  }
0x3c: {  	p2 =	seq.s32 s10, $0x1;
	s10 =	sld [smem:$0x3FB4]  }
0x3d: {  	_ =	shalt  }
0x3e: {  	_ =	shalt  }
0x3f: {  	_ =	shalt  }
0x40: {  	_ =	shalt  }
0x41: {  	_ =	shalt  }
0x42: {  	_ =	shalt  }
0x43: {  	_ =	shalt  }
0x44: {  	_ =	shalt  }
0x45: {  	_ =	shalt  }
0x46: {  	_ =	shalt  }
0x47: {  	_ =	shalt  }
0x48: {  	_ =	shalt  }
0x49: {  	_ =	shalt  }
0x4a: {  	_ =	shalt  }
0x4b: {  	_ =	shalt  }
0x4c: {  	_ =	shalt  }
0x4d: {  	_ =	shalt  }
0x4e: {  	_ =	shalt  }
0x4f: {  	_ =	shalt  }
0x50: {  	_ =	shalt  }
0x51: {  	_ =	shalt  }
0x52: {  	_ =	shalt  }
0x53: {  	_ =	shalt  }
0x54: {  	_ =	shalt  }
0x55: {  	_ =	shalt  }
0x56: {  	_ =	shalt  }
0x57: {  	_ =	shalt  }
0x58: {  	_ =	shalt  }
0x59: {  	_ =	shalt  }
0x5a: {  	_ =	shalt  }
0x5b: {  	_ =	shalt  }
0x5c: {  	_ =	shalt  }
0x5d: {  	_ =	shalt  }
0x5e: {  	_ =	shalt  }
0x5f: {  	_ =	shalt  }
0x60: {  	_ =	shalt  }
0x61: {  	_ =	shalt  }
0x62: {  	_ =	shalt  }
0x63: {  	_ =	shalt  }
0x64: {  	_ =	shalt  }
0x65: {  	_ =	shalt  }
0x66: {  	_ =	shalt  }
0x67: {  	_ =	shalt  }
0x68: {  	_ =	shalt  }
0x69: {  	_ =	shalt  }
0x6a: {  	_ =	shalt  }
0x6b: {  	_ =	shalt  }
0x6c: {  	_ =	shalt  }
0x6d: {  	_ =	shalt  }
0x6e: {  	_ =	shalt  }
0x6f: {  	_ =	shalt  }
0x70: {  	_ =	shalt  }
0x71: {  	_ =	shalt  }
0x72: {  	_ =	shalt  }
0x73: {  	_ =	shalt  }
0x74: {  	_ =	shalt  }
0x75: {  	_ =	shalt  }
0x76: {  	_ =	shalt  }
0x77: {  	_ =	shalt  }
0x78: {  	_ =	shalt  }
0x79: {  	_ =	shalt  }
0x7a: {  	_ =	shalt  }
0x7b: {  	_ =	shalt  }
0x7c: {  	_ =	shalt  }
0x7d: {  	_ =	shalt  }
0x7e: {  	_ =	shalt  }
0x7f: {  	_ =	shalt  }
0x80: {  	_ =	shalt  }
0x81: {  	_ =	shalt  }
0x82: {  	_ =	shalt  }
0x83: {  	_ =	shalt  }
0x84: {  	_ =	shalt  }
0x85: {  	_ =	shalt  }
0x86: {  	_ =	shalt  }
0x87: {  	_ =	shalt  }
.Lfunc_end0:
.L_simem_size_0:
called_computation_lowered:
.L_overlay_start_0:
0x88: {  	s2 =	sld [smem:$0x3FD9]  }
0x89: {  	s3 =	sld [smem:$0x3FFE];
	_ =	sdelay $0x1  }
0x8a: {  	s1 =	srdreg.scid  }
0x8b: {  	s0 =	sand.u32 $0x1, s1  }
0x8c: {  	s17 =	sshll.u32 s0, $0xA;
	s2 =	sadd.s32 s3, s2  }
0x8d: {  	s2 =	sadd.s32 s2, s17  }
0x8e: {  	[smem:$0x3FC0] =	sst s2  }
0x8f: {  	_ = 	snop  }
0x90: {  	s2 =	sld [smem:$0x3FC9]  }
0x91: {  	s18 =	sld [smem:$0x3FC8]  }
0x92: {  	s4 =	sld [smem:$0x3FC7]  }
0x93: {  	s5 =	sld [smem:$0x3FC6];
	(tm) =	ssettm $0x1  }
0x94: {  	s6 =	sld [smem:$0x3FFB];
	_ =	sdelay $0x3  }
0x95: {  	_ =	strace s6  }
0x96: {  	s6 =	sld [smem:$0x3FFC];
	_ =	sdelay $0x3  }
0x97: {  	_ =	strace s6  }
0x98: {  	s6 =	sld [smem:$0x3FFD];
	_ =	sdelay $0x3  }
0x99: {  	_ =	strace s6  }
0x9a: {  	_ =	strace $0x8FFFFFFF  }
0x9b: {  	s19 =	sld [smem:$0x3FDB];
	_ =	sdelay $0x1  }
0x9c: {  	s7 =	simm.s32 $_scs_section_size  }
0x9d: {  	s8 =	simm.s32 $_size__tile_overlayer_lowered;
	s9 =	simm.s32 $_tile_overlayer_lowered  }
0x9e: {  	s22 =	simm.s32 $0x1BFF;
	s21 =	sshll.u32 s9, $0x1;
	s6 =	sadd.s32 s7, s19  }
0x9f: {  	s10 =	simm.s32 $0x0;
	s20 =	sshll.u32 s8, $0x1;
	s8 =	sadd.s32 s21, s6  }
0xa0: {  	[timem:s10], [sflag:s22] =	dma.local [hbm:s8], s20  }
0xa1: {  	_ =	swait.ge [sflag:s22], s20  }
0xa2: {  	s7 =	ssub.s32 $0x0, s20;
	[sflag:s22] =	ssyncset.done $0x0  }
0xa3: {  	[sflag:s22] =	ssyncadd.s32 s7;
	_ =	sdelay $0x1  }
0xa4: {  	s23 =	simm.s32 $0x1B8B  }
0xa5: {  	_ =	swait.ge [sflag:s23], $0x1  }
0xa6: {  	[sflag:s23] =	ssyncset.done $0x0  }
0xa7: {  	s25 =	simm.s32 $0x1B8E;
	s24 =	sld [smem:$0x3FFE];
	[sflag:s23] =	ssyncadd.s32 $0xFFFFFFFF  }
0xa8: {  	s26 =	simm.s32 $execute0_lowered;
	[smem:$0x3FD2] =	sst s25  }
0xa9: {  	s8 =	sshll.u32 s26, $0x1;
	_ =	strace $0x80000046;
	[dreg:$0x1] =	wrdreg $0xFFFFFFFF  }
0xaa: {  	s28 =	simm.s32 $_size_execute0_lowered;
	s6 =	sadd.s32 s6, s8;
	[dreg:$0x0] =	wrdreg $0x0  }
0xab: {  	s8 =	sshll.u32 s28, $0x1;
	[dreg:$0x2] =	wrdreg s6  }
0xac: {  	[dreg:$0x3] =	wrdreg s8  }
0xad: {  	[dreg:$0x4] =	wrdreg $0xC0  }
0xae: {  	_ =	task [dreg:s10], $0x5FFFF  }
0xaf: {  	[dreg:$0x1] =	wrdreg $0xFFFFFFFF  }
0xb0: {  	[dreg:$0x0] =	wrdreg $0x60  }
0xb1: {  	[dreg:$0x2] =	wrdreg s2  }
0xb2: {  	[dreg:$0x3] =	wrdreg s18  }
0xb3: {  	[dreg:$0x4] =	wrdreg s4  }
0xb4: {  	[dreg:$0x5] =	wrdreg s5  }
0xb5: {  	[dreg:$0x6] =	wrdreg s24  }
0xb6: {  	[dreg:$0x7] =	wrdreg $0x9  }
0xb7: {  	_ =	task.clear_ibuf [dreg:s10], $0x8FFFF;
	_ =	strace $0x90000046  }
0xb8: {  	s29 =	simm.s32 $0x9;
	_ =	strace $0x80000048  }
0xb9: {  	_ =	swait.ge [sflag:s29], $0x1  }
0xba: {  	[sflag:s29] =	ssyncadd.s32 $0xFFFFFFFF  }
0xbb: {  	_ =	strace $0x90000048  }
0xbc: {  	_ =	sfence  }
0xbd: {  	s30 =	sld [smem:$0x0];
	_ =	sdelay $0x2  }
0xbe: {  	s31 =	sshll.u32 s1, $0xD;
	s1 =	sshrl.u32 s1, $0x2  }
0xbf: {  	s3 =	sand.u32 $0x4000, s31;
	s1 =	sadd.s32 s1, s30  }
0xc0: {  	s0 =	sor.u32 s3, s0;
	s1 =	sshll.u32 s1, $0x11  }
0xc1: {  	s0 =	sor.u32 s1, s0  }
0xc2: {  	s0 =	sadd.s32 $0x8F2B, s0  }
0xc3: {  	[sflag:s0] =	ssyncadd.remote.s32 $0x1  }
0xc4: {  	_ =	sfence.sel $0xFFFF  }
0xc5: {  	[dreg:$0x0] =	wrdreg $0xFFFFFFFF;
	(pc) =	sbr.abs _section_cstart, $3  }
0xc6: {  	[dreg:$0x1] =	wrdreg $0xFFFFFFFF  }
0xc7: {  	_ =	task.clear_ibuf [dreg:s10], $0x2FFFF;
	_ =	strace $0x9FFFFFFF  }
0xc8: {  	(tm) =	ssettm $0x7FFFFFFF  }
0xc9: {  	_ =	shalt  }
tec
execute0_lowered:
.L_overlay_start_1:
0x0: {  	(tag) =	ssettag $0x1  }
0x1: {  	s5 =	rddreg [dreg:$0x0]  }
0x2: {  	s6 =	rddreg [dreg:$0x1]  }
0x3: {  	s2 =	rddreg [dreg:$0x2]  }
0x4: {  	s1 =	srdreg.scid;
	s0 =	stileid.u32  }
0x5: {  	s3 =	rddreg [dreg:$0x3];
	s1 =	sand.u32 $0x1, s1;
	s7 =	sshll.u32 s0, $0x1  }
0x6: {  	s28 =	rddreg [dreg:$0x4];
	s4 =	simm.s32 $0x0;
	s21 =	sor.u32 s1, s7  }
0x7: {  	[smem:$0x7FF] =	sst s4;
	s7 =	sshll.u32 s21, $0x6  }
0x8: {  	[dreg:$0x7] =	wrdreg s1;
	s5 =	sadd.s32 s5, s7  }
0x9: {  	_ =	strace $0x80000047;
	[dreg:$0x6] =	wrdreg s5  }
0xa: {  	s5 =	rddreg [dreg:$0x6]  }
0xb: {  	[tilespmem:s4], [sflag:$0x1] =	stream.linear.gather [hbm4b:s5+s4], $0x200, $0x38;
	[tilespmem:$0x1C400] =	vst v63  }
0xc: {  	s5 =	sadd.s32 s6, s7;
	s6 =	simm.s32 $0x200;
	s7 =	simm.s32 $0x1  }
0xd: {  	[tilespmem:s6], [sflag:$0x1] =	stream.linear.gather [hbm4b:s5+s4], $0x200, $0x38;
	[tilespmem:$0x1C400] =	vst v63  }
0xe: {  	_ =	swait.ge [sflag:s7], $0x200  }
0xf: {  	[sflag:s7] =	ssyncset.done $0x0  }
0x10: {  	[sflag:s7] =	ssyncadd.s32 $0xFFFFFE00  }
0x11: {  	_ =	swait.ge [sflag:s7], $0x200  }
0x12: {  	[sflag:s7] =	ssyncset.done $0x0  }
0x13: {  	s8 =	simm.s32 $0x80;
	s9 =	simm.s32 $0x400;
	[sflag:s7] =	ssyncadd.s32 $0xFFFFFE00  }
0x14: {  	[tilespmem:s9], [sflag:$0x2] =	stream.indirect.gather [hbm4b:s2+s8], $0x80, s4, s8, $0xb8;
	[tilespmem:$0x1C400] =	vst v63  }
0x15: {  	s10 =	simm.s32 $0x4400  }
0x16: {  	[tilespmem:s10], [sflag:$0x2] =	stream.indirect.gather [hbm4b:s2+s8], $0x80, s8, s8, $0xb8;
	[tilespmem:$0x1C400] =	vst v63  }
0x17: {  	s11 =	simm.s32 $0x100;
	s12 =	simm.s32 $0x8400  }
0x18: {  	[tilespmem:s12], [sflag:$0x2] =	stream.indirect.gather [hbm4b:s2+s8], $0x80, s11, s8, $0xb8;
	[tilespmem:$0x1C400] =	vst v63  }
0x19: {  	s13 =	simm.s32 $0x180;
	s14 =	simm.s32 $0xC400  }
0x1a: {  	[tilespmem:s14], [sflag:$0x2] =	stream.indirect.gather [hbm4b:s2+s8], $0x80, s13, s8, $0xb8;
	[tilespmem:$0x1C400] =	vst v63  }
0x1b: {  	s15 =	simm.s32 $0x10400  }
0x1c: {  	[tilespmem:s15], [sflag:$0x2] =	stream.indirect.gather [hbm4b:s3+s8], $0x80, s6, s8, $0xb8;
	[tilespmem:$0x1C400] =	vst v63  }
0x1d: {  	s16 =	simm.s32 $0x280;
	s17 =	simm.s32 $0x14400  }
0x1e: {  	[tilespmem:s17], [sflag:$0x2] =	stream.indirect.gather [hbm4b:s3+s8], $0x80, s16, s8, $0xb8;
	[tilespmem:$0x1C400] =	vst v63  }
0x1f: {  	s18 =	simm.s32 $0x300;
	s19 =	simm.s32 $0x18400;
	s20 =	simm.s32 $0x2  }
0x20: {  	[tilespmem:s19], [sflag:$0x2] =	stream.indirect.gather [hbm4b:s3+s8], $0x80, s18, s8, $0xb8;
	[tilespmem:$0x1C400] =	vst v63  }
0x21: {  	_ =	swait.ge [sflag:s20], $0x4000  }
0x22: {  	s26 =	sadd.s32 $0x1200, s28;
	s29 =	sshll.u32 s21, $0xD;
	[sflag:s20] =	ssyncset.done $0x0  }
0x23: {  	s22 =	simm.s32 $0x3;
	s21 =	sadd.s32 s26, s29;
	[sflag:s20] =	ssyncadd.s32 $0xFFFFC000  }
0x24: {  	[hbm4b:s21+s4] =	stream.linear.scatter [tilespmem:s9], [sflag:$0x3], $0x4000, $0x38;
	[tilespmem:$0x1C400] =	vst v63  }
0x25: {  	_ =	swait.ge [sflag:s22], $0x4000  }
0x26: {  	[sflag:s22] =	ssyncset.done $0x0  }
0x27: {  	s23 =	simm.s32 $0x380;
	[sflag:s22] =	ssyncadd.s32 $0xFFFFC000  }
0x28: {  	[tilespmem:s9], [sflag:$0x2] =	stream.indirect.gather [hbm4b:s3+s8], $0x80, s23, s8, $0xb8;
	[tilespmem:$0x1C400] =	vst v63  }
0x29: {  	_ =	swait.ge [sflag:s20], $0x4000  }
0x2a: {  	s30 =	sor.u32 $0x800, s29;
	[sflag:s20] =	ssyncset.done $0x0  }
0x2b: {  	s24 =	sadd.s32 s26, s30;
	[sflag:s20] =	ssyncadd.s32 $0xFFFFC000  }
0x2c: {  	[hbm4b:s24+s4] =	stream.linear.scatter [tilespmem:s10], [sflag:$0x3], $0x4000, $0x38;
	[tilespmem:$0x1C400] =	vst v63  }
0x2d: {  	_ =	swait.ge [sflag:s20], $0x4000  }
0x2e: {  	s31 =	sor.u32 $0x1000, s29;
	[sflag:s20] =	ssyncset.done $0x0  }
0x2f: {  	s25 =	sadd.s32 s26, s31;
	[sflag:s20] =	ssyncadd.s32 $0xFFFFC000  }
0x30: {  	[hbm4b:s25+s4] =	stream.linear.scatter [tilespmem:s12], [sflag:$0x3], $0x4000, $0x38;
	[tilespmem:$0x1C400] =	vst v63  }
0x31: {  	_ =	swait.ge [sflag:s20], $0x4000  }
0x32: {  	s1 =	sor.u32 $0x1800, s29;
	[sflag:s20] =	ssyncset.done $0x0  }
0x33: {  	s26 =	sadd.s32 s26, s1;
	[sflag:s20] =	ssyncadd.s32 $0xFFFFC000  }
0x34: {  	[hbm4b:s26+s4] =	stream.linear.scatter [tilespmem:s14], [sflag:$0x3], $0x4000, $0x38;
	[tilespmem:$0x1C400] =	vst v63  }
0x35: {  	_ =	swait.ge [sflag:s20], $0x4000  }
0x36: {  	s0 =	sadd.s32 $0x41200, s28;
	[sflag:s20] =	ssyncset.done $0x0  }
0x37: {  	s28 =	sadd.s32 s0, s29;
	[sflag:s20] =	ssyncadd.s32 $0xFFFFC000  }
0x38: {  	[hbm4b:s28+s4] =	stream.linear.scatter [tilespmem:s15], [sflag:$0x3], $0x4000, $0x38;
	[tilespmem:$0x1C400] =	vst v63  }
0x39: {  	_ =	swait.ge [sflag:s20], $0x4000  }
0x3a: {  	[sflag:s20] =	ssyncset.done $0x0  }
0x3b: {  	s29 =	sadd.s32 s0, s30;
	[sflag:s20] =	ssyncadd.s32 $0xFFFFC000  }
0x3c: {  	[hbm4b:s29+s4] =	stream.linear.scatter [tilespmem:s17], [sflag:$0x3], $0x4000, $0x38;
	[tilespmem:$0x1C400] =	vst v63  }
0x3d: {  	_ =	swait.ge [sflag:s20], $0x4000  }
0x3e: {  	[sflag:s20] =	ssyncset.done $0x0  }
0x3f: {  	s30 =	sadd.s32 s0, s31;
	[sflag:s20] =	ssyncadd.s32 $0xFFFFC000  }
0x40: {  	[hbm4b:s30+s4] =	stream.linear.scatter [tilespmem:s19], [sflag:$0x3], $0x4000, $0x38;
	[tilespmem:$0x1C400] =	vst v63  }
0x41: {  	_ =	swait.ge [sflag:s20], $0x4000  }
0x42: {  	[sflag:s20] =	ssyncset.done $0x0  }
0x43: {  	s31 =	sadd.s32 s0, s1;
	[sflag:s20] =	ssyncadd.s32 $0xFFFFC000  }
0x44: {  	[hbm4b:s31+s4] =	stream.linear.scatter [tilespmem:s9], [sflag:$0x3], $0x4000, $0x38;
	[tilespmem:$0x1C400] =	vst v63  }
0x45: {  	_ =	swait.ge [sflag:s22], $0x4000  }
0x46: {  	[sflag:s22] =	ssyncset.done $0x0  }
0x47: {  	[sflag:s22] =	ssyncadd.s32 $0xFFFFC000  }
0x48: {  	_ =	swait.ge [sflag:s22], $0x4000  }
0x49: {  	[sflag:s22] =	ssyncset.done $0x0  }
0x4a: {  	[sflag:s22] =	ssyncadd.s32 $0xFFFFC000  }
0x4b: {  	_ =	swait.ge [sflag:s22], $0x4000  }
0x4c: {  	[sflag:s22] =	ssyncset.done $0x0  }
0x4d: {  	[sflag:s22] =	ssyncadd.s32 $0xFFFFC000  }
0x4e: {  	_ =	swait.ge [sflag:s22], $0x4000  }
0x4f: {  	[sflag:s22] =	ssyncset.done $0x0  }
0x50: {  	[sflag:s22] =	ssyncadd.s32 $0xFFFFC000  }
0x51: {  	_ =	swait.ge [sflag:s22], $0x4000  }
0x52: {  	s1 =	rddreg [dreg:$0x7]  }
0x53: {  	s0 =	ssub.s32 $0x2, s1  }
0x54: {  	s1 =	sshrl.u32 s0, $0x1  }
0x55: {  	s0 =	ssub.s32 s0, s1  }
0x56: {  	s0 =	smax.u32 s0, $0x1  }
0x57: {  	[sflag:s22] =	ssyncset.done $0x0;
	p0 =	sne.s32 s0, $0x1  }
.Ltmp0:
0x58: {  	[sflag:s22] =	ssyncadd.s32 $0xFFFFC000;
	(pc) =	sbr.rel @!p0 .LBB2_2-.Ltmp0, $4  }
0x59: {  	_ =	swait.ge [sflag:s22], $0x4000  }
0x5a: {  	[sflag:s22] =	ssyncset.done $0x0  }
0x5b: {  	[sflag:s22] =	ssyncadd.s32 $0xFFFFC000  }
0x5c: {  	s1 =	sadd.s32 $0xFFFFFFFF, s0;
	_ =	swait.ge [sflag:s22], $0x4000  }
.LBB2_1:
0x5d: {  	[sflag:s22] =	ssyncset.done $0x0  }
0x5e: {  	s0 =	rddreg [dreg:$0x6];
	[sflag:s22] =	ssyncadd.s32 $0xFFFFC000  }
0x5f: {  	[tilespmem:s4], [sflag:$0x1] =	stream.linear.gather [hbm4b:s0+s4], $0x200, $0x38;
	[tilespmem:$0x1C400] =	vst v63  }
0x60: {  	_ = 	snop  }
0x61: {  	[tilespmem:s6], [sflag:$0x1] =	stream.linear.gather [hbm4b:s5+s4], $0x200, $0x38;
	[tilespmem:$0x1C400] =	vst v63  }
0x62: {  	_ =	swait.ge [sflag:s7], $0x200  }
0x63: {  	[sflag:s7] =	ssyncset.done $0x0  }
0x64: {  	[sflag:s7] =	ssyncadd.s32 $0xFFFFFE00  }
0x65: {  	_ =	swait.ge [sflag:s7], $0x200  }
0x66: {  	[sflag:s7] =	ssyncset.done $0x0  }
0x67: {  	[sflag:s7] =	ssyncadd.s32 $0xFFFFFE00  }
0x68: {  	[tilespmem:s9], [sflag:$0x2] =	stream.indirect.gather [hbm4b:s2+s8], $0x80, s4, s8, $0xb8;
	[tilespmem:$0x1C400] =	vst v63  }
0x69: {  	_ = 	snop  }
0x6a: {  	[tilespmem:s10], [sflag:$0x2] =	stream.indirect.gather [hbm4b:s2+s8], $0x80, s8, s8, $0xb8;
	[tilespmem:$0x1C400] =	vst v63  }
0x6b: {  	_ = 	snop  }
0x6c: {  	[tilespmem:s12], [sflag:$0x2] =	stream.indirect.gather [hbm4b:s2+s8], $0x80, s11, s8, $0xb8;
	[tilespmem:$0x1C400] =	vst v63  }
0x6d: {  	_ = 	snop  }
0x6e: {  	[tilespmem:s14], [sflag:$0x2] =	stream.indirect.gather [hbm4b:s2+s8], $0x80, s13, s8, $0xb8;
	[tilespmem:$0x1C400] =	vst v63  }
0x6f: {  	_ = 	snop  }
0x70: {  	[tilespmem:s15], [sflag:$0x2] =	stream.indirect.gather [hbm4b:s3+s8], $0x80, s6, s8, $0xb8;
	[tilespmem:$0x1C400] =	vst v63  }
0x71: {  	_ = 	snop  }
0x72: {  	[tilespmem:s17], [sflag:$0x2] =	stream.indirect.gather [hbm4b:s3+s8], $0x80, s16, s8, $0xb8;
	[tilespmem:$0x1C400] =	vst v63  }
0x73: {  	_ = 	snop  }
0x74: {  	[tilespmem:s19], [sflag:$0x2] =	stream.indirect.gather [hbm4b:s3+s8], $0x80, s18, s8, $0xb8;
	[tilespmem:$0x1C400] =	vst v63  }
0x75: {  	_ =	swait.ge [sflag:s20], $0x4000  }
0x76: {  	[sflag:s20] =	ssyncset.done $0x0  }
0x77: {  	[sflag:s20] =	ssyncadd.s32 $0xFFFFC000  }
0x78: {  	[hbm4b:s21+s4] =	stream.linear.scatter [tilespmem:s9], [sflag:$0x3], $0x4000, $0x38;
	[tilespmem:$0x1C400] =	vst v63  }
0x79: {  	_ =	swait.ge [sflag:s22], $0x4000  }
0x7a: {  	[sflag:s22] =	ssyncset.done $0x0  }
0x7b: {  	[sflag:s22] =	ssyncadd.s32 $0xFFFFC000  }
0x7c: {  	[tilespmem:s9], [sflag:$0x2] =	stream.indirect.gather [hbm4b:s3+s8], $0x80, s23, s8, $0xb8;
	[tilespmem:$0x1C400] =	vst v63  }
0x7d: {  	_ =	swait.ge [sflag:s20], $0x4000  }
0x7e: {  	[sflag:s20] =	ssyncset.done $0x0  }
0x7f: {  	[sflag:s20] =	ssyncadd.s32 $0xFFFFC000  }
0x80: {  	[hbm4b:s24+s4] =	stream.linear.scatter [tilespmem:s10], [sflag:$0x3], $0x4000, $0x38;
	[tilespmem:$0x1C400] =	vst v63  }
0x81: {  	_ =	swait.ge [sflag:s20], $0x4000  }
0x82: {  	[sflag:s20] =	ssyncset.done $0x0  }
0x83: {  	[sflag:s20] =	ssyncadd.s32 $0xFFFFC000  }
0x84: {  	[hbm4b:s25+s4] =	stream.linear.scatter [tilespmem:s12], [sflag:$0x3], $0x4000, $0x38;
	[tilespmem:$0x1C400] =	vst v63  }
0x85: {  	_ =	swait.ge [sflag:s20], $0x4000  }
0x86: {  	[sflag:s20] =	ssyncset.done $0x0  }
0x87: {  	[sflag:s20] =	ssyncadd.s32 $0xFFFFC000  }
0x88: {  	[hbm4b:s26+s4] =	stream.linear.scatter [tilespmem:s14], [sflag:$0x3], $0x4000, $0x38;
	[tilespmem:$0x1C400] =	vst v63  }
0x89: {  	_ =	swait.ge [sflag:s20], $0x4000  }
0x8a: {  	[sflag:s20] =	ssyncset.done $0x0  }
0x8b: {  	[sflag:s20] =	ssyncadd.s32 $0xFFFFC000  }
0x8c: {  	[hbm4b:s28+s4] =	stream.linear.scatter [tilespmem:s15], [sflag:$0x3], $0x4000, $0x38;
	[tilespmem:$0x1C400] =	vst v63  }
0x8d: {  	_ =	swait.ge [sflag:s20], $0x4000  }
0x8e: {  	[sflag:s20] =	ssyncset.done $0x0  }
0x8f: {  	[sflag:s20] =	ssyncadd.s32 $0xFFFFC000  }
0x90: {  	[hbm4b:s29+s4] =	stream.linear.scatter [tilespmem:s17], [sflag:$0x3], $0x4000, $0x38;
	[tilespmem:$0x1C400] =	vst v63  }
0x91: {  	_ =	swait.ge [sflag:s20], $0x4000  }
0x92: {  	[sflag:s20] =	ssyncset.done $0x0  }
0x93: {  	[sflag:s20] =	ssyncadd.s32 $0xFFFFC000  }
0x94: {  	[hbm4b:s30+s4] =	stream.linear.scatter [tilespmem:s19], [sflag:$0x3], $0x4000, $0x38;
	[tilespmem:$0x1C400] =	vst v63  }
0x95: {  	_ =	swait.ge [sflag:s20], $0x4000  }
0x96: {  	[sflag:s20] =	ssyncset.done $0x0  }
0x97: {  	[sflag:s20] =	ssyncadd.s32 $0xFFFFC000  }
0x98: {  	[hbm4b:s31+s4] =	stream.linear.scatter [tilespmem:s9], [sflag:$0x3], $0x4000, $0x38;
	[tilespmem:$0x1C400] =	vst v63  }
0x99: {  	_ =	swait.ge [sflag:s22], $0x4000  }
0x9a: {  	[sflag:s22] =	ssyncset.done $0x0  }
0x9b: {  	[sflag:s22] =	ssyncadd.s32 $0xFFFFC000  }
0x9c: {  	_ =	swait.ge [sflag:s22], $0x4000  }
0x9d: {  	[sflag:s22] =	ssyncset.done $0x0  }
0x9e: {  	[sflag:s22] =	ssyncadd.s32 $0xFFFFC000  }
0x9f: {  	_ =	swait.ge [sflag:s22], $0x4000  }
0xa0: {  	[sflag:s22] =	ssyncset.done $0x0  }
0xa1: {  	[sflag:s22] =	ssyncadd.s32 $0xFFFFC000  }
0xa2: {  	_ =	swait.ge [sflag:s22], $0x4000  }
0xa3: {  	[sflag:s22] =	ssyncset.done $0x0  }
0xa4: {  	[sflag:s22] =	ssyncadd.s32 $0xFFFFC000  }
0xa5: {  	_ =	swait.ge [sflag:s22], $0x4000  }
0xa6: {  	p0 =	sne.s32 s1, $0x1;
	[sflag:s22] =	ssyncset.done $0x0  }
.Ltmp1:
0xa7: {  	[sflag:s22] =	ssyncadd.s32 $0xFFFFC000;
	(pc) =	sbr.rel @p0 .LBB2_1-.Ltmp1, $4  }
0xa8: {  	_ =	swait.ge [sflag:s22], $0x4000  }
0xa9: {  	[sflag:s22] =	ssyncset.done $0x0  }
0xaa: {  	[sflag:s22] =	ssyncadd.s32 $0xFFFFC000  }
0xab: {  	s1 =	sadd.s32 $0xFFFFFFFF, s1;
	_ =	swait.ge [sflag:s22], $0x4000  }
.LBB2_2:
0xac: {  	[sflag:s22] =	ssyncset.done $0x0  }
0xad: {  	[sflag:s22] =	ssyncadd.s32 $0xFFFFC000  }
0xae: {  	_ =	sfence.sel $0x180000  }
0xaf: {  	[bflag:$0x0] =	sbarrier.arrive $0xFFFF  }
0xb0: {  	_ =	strace $0x90000047  }
0xb1: {  	s0 =	stileid.u32;
	[bflag:$0x2] =	sbarrier.arrive $0xFFFF  }
0xb2: {  	p0 =	sne.s32 s0, $0x0;
	s0 =	rddreg [dreg:$0x5]  }
0xb3: {  	s0 =	sadd.s32 @!p0 $0x100000, s0  }
0xb4: {  	[sflag:s0] =	ssyncadd.tile.s32 @!p0 $0x1;
	_ =	shalt  }
.Lfunc_end2:
_tile_overlayer_lowered:
.L_overlay_start_2:
0xb5: {  	(tag) =	ssettag $0x2  }
0xb6: {  	s0 =	rddreg [dreg:$0x0];
	s2 =	stileid.u32  }
0xb7: {  	s1 =	rddreg [dreg:$0x1];
	p0 =	sne.s32 s2, $0x0  }
0xb8: {  	s3 =	rddreg [dreg:$0x2];
	[bflag:$0x3] =	sbarrier.arrive $0xFFFF;
	s2 =	simm.s32 @!p0 $0x1C04  }
0xb9: {  	[timem:s3], [sflag:s2] =	dma.local @!p0 [hbm:s0], s1  }
0xba: {  	s0 =	simm.s32 @!p0 $0x4  }
0xbb: {  	_ =	swait.ge @!p0 [sflag:s0], s1  }
0xbc: {  	s1 =	ssub.s32 @!p0 $0x0, s1;
	[sflag:s0] =	ssyncset.done @!p0 $0x0  }
0xbd: {  	[sflag:s0] =	ssyncadd.s32 @!p0 s1  }
0xbe: {  	[bflag:$0x3] =	sbarrier.arrive $0xFFFF  }
0xbf: {  	_ =	shalt  }

</sc_bundles>
